<compile_context>
chip_gen: v7x
topology: tpu7x:2x2x1
jax: 0.10.2.dev20260603
libtpu: 0.0.44.dev20260713+nightly
codegen_flags: <defaults>
</compile_context>

<pallas_src>
import functools

import jax
import jax.numpy as jnp
from jax import lax
from jax.experimental import pallas as pl
from jax.experimental.pallas import tpu as pltpu
from jax.experimental.pallas import tpu_sc as plsc

N = 10000
E = 320000
D = 128
H = 256
HD = D // 2

L = 16
NC = 2
NS = 16
K = 128
NBUF = 2
CH_PER_TILE = 80
GROUPS = CH_PER_TILE // NBUF
NCH = NC * NS * CH_PER_TILE
E_PAD = NCH * K
NP = 10240
ROWS_PER_TILE = NP // NS


BE = 2560
NBLK_E = E // BE


def _edge_mlp_body(eft_ref, w1t_ref, b1_ref, w2t_ref, b2_ref, out_ref):
    h = jnp.dot(w1t_ref[...], eft_ref[...], preferred_element_type=jnp.float32)
    h = jnp.maximum(h + b1_ref[...], 0.0)
    z = jnp.dot(w2t_ref[...], h, preferred_element_type=jnp.float32)
    out_ref[...] = jax.nn.sigmoid(z + b2_ref[...])[None]


def _edge_mlp(eft, w1t, b1c, w2t, b2c):
    return pl.pallas_call(
        _edge_mlp_body,
        grid=(NBLK_E,),
        in_specs=[
            pl.BlockSpec((3, BE), lambda i: (0, i)),
            pl.BlockSpec((H, 3), lambda i: (0, 0)),
            pl.BlockSpec((H, 1), lambda i: (0, 0)),
            pl.BlockSpec((1, H), lambda i: (0, 0)),
            pl.BlockSpec((1, 1), lambda i: (0, 0)),
        ],
        out_specs=pl.BlockSpec((1, 1, BE), lambda i: (i, 0, 0)),
        out_shape=jax.ShapeDtypeStruct((NBLK_E, 1, BE), jnp.float32),
    )(eft, w1t, b1c, w2t, b2c)



@functools.lru_cache(maxsize=None)
def _make_sc_aggregate():
    mesh = plsc.VectorSubcoreMesh(
        core_axis_name="c", subcore_axis_name="s",
        num_cores=NC, num_subcores=NS,
    )
    return functools.partial(
        pl.kernel,
        out_type=jax.ShapeDtypeStruct((NC * NP, D), jnp.float32),
        mesh=mesh,
        scratch_types=[
            pltpu.VMEM((3, K), jnp.int32),
            pltpu.VMEM((3, K), jnp.int32),
            pltpu.VMEM((K, D), jnp.float32),
            pltpu.VMEM((K, D), jnp.float32),
            pltpu.VMEM_SHARED((NP, D), jnp.float32),
            pltpu.SemaphoreType.DMA,
            pltpu.SemaphoreType.DMA,
            pltpu.SemaphoreType.DMA,
            pltpu.SemaphoreType.DMA,
        ],
        compiler_params=pltpu.CompilerParams(needs_layout_passes=False),
    )(_sc_aggregate_body)


def _sc_aggregate_body(xp, edata, zrows, agg2, ebuf0, ebuf1, rows0, rows1,
                       aggsh, esem0, esem1, gsem0, gsem1):
    c = lax.axis_index("c")
    s = lax.axis_index("s")
    cn = c * NP
    base = (c * NS + s) * CH_PER_TILE
    ebufs = (ebuf0, ebuf1)
    rowss = (rows0, rows1)
    esems = (esem0, esem1)
    gsems = (gsem0, gsem1)

    pltpu.sync_copy(zrows, aggsh.at[pl.ds(s * ROWS_PER_TILE, ROWS_PER_TILE)])
    plsc.subcore_barrier()

    pltpu.async_copy(edata.at[base], ebuf0, esem0).wait()
    pltpu.async_copy(xp.at[ebuf0.at[0]], rows0, gsem0)

    def chunk_pair(t, _):
        for b in range(2):
            i = 2 * t + b
            o = 1 - b
            nxt = base + jnp.minimum(i + 1, CH_PER_TILE - 1)
            pltpu.async_copy(edata.at[nxt], ebufs[o], esems[o]).wait()
            pltpu.async_copy(xp.at[ebufs[o].at[0]], rowss[o], gsems[o])
            pltpu.make_async_copy(xp.at[ebufs[b].at[0]], rowss[b],
                                  gsems[b]).wait()
            eb = ebufs[b]
            rb = rowss[b]
            wrow = jnp.full((L,), 2, jnp.int32)

            @plsc.parallel_loop(0, K, 1, unroll=4)
            def me(e):
                widx = jnp.full((L,), e, jnp.int32)
                wv = plsc.bitcast(plsc.load_gather(eb, [wrow, widx]),
                                  jnp.float32)
                for g in range(D // L):
                    rb[e, pl.ds(g * L, L)] = rb[e, pl.ds(g * L, L)] * wv

            pltpu.sync_copy(rb, aggsh.at[eb.at[1]], add=True)
        return 0

    lax.fori_loop(0, CH_PER_TILE // 2, chunk_pair, 0)
    pltpu.make_async_copy(xp.at[ebuf0.at[0]], rows0, gsem0).wait()
    plsc.subcore_barrier()
    pltpu.sync_copy(
        aggsh.at[pl.ds(s * ROWS_PER_TILE, ROWS_PER_TILE)],
        agg2.at[pl.ds(cn + s * ROWS_PER_TILE, ROWS_PER_TILE)],
    )


def _sc_aggregate(xp, edata, zrows):
    return _make_sc_aggregate()(xp, edata, zrows)



BN = 2000
NBLK_N = N // BN


def _node_body(x_ref, a0_ref, a1_ref, deg_ref, a_ref, b_ref,
               wd_ref, bm1_ref, wm2_ref, bm2_ref, g_ref, beta_ref, out_ref):
    x = x_ref[...]
    deg = deg_ref[...]
    rd = 1.0 / jnp.maximum(deg, 1.0)
    agg = (a0_ref[...] + a1_ref[...]) * rd
    h = (jnp.dot(x, a_ref[...], preferred_element_type=jnp.float32)
         + jnp.dot(agg, b_ref[...], preferred_element_type=jnp.float32)
         + deg * wd_ref[...]
         + bm1_ref[...])
    h = jnp.maximum(h, 0.0)
    y = x + jnp.dot(h, wm2_ref[...], preferred_element_type=jnp.float32) + bm2_ref[...]
    mean = jnp.mean(y, axis=-1, keepdims=True)
    yc = y - mean
    var = jnp.mean(yc * yc, axis=-1, keepdims=True)
    out_ref[...] = yc * lax.rsqrt(var + 1e-5) * g_ref[...] + beta_ref[...]


def _node_mlp(x, a0, a1, deg, a, b, wd, bm1, wm2, bm2, g, beta):
    full = lambda r, c: pl.BlockSpec((r, c), lambda i: (0, 0))
    return pl.pallas_call(
        _node_body,
        grid=(NBLK_N,),
        in_specs=[
            pl.BlockSpec((BN, D), lambda i: (i, 0)),
            pl.BlockSpec((BN, D), lambda i: (i, 0)),
            pl.BlockSpec((BN, D), lambda i: (i, 0)),
            pl.BlockSpec((BN, 1), lambda i: (i, 0)),
            full(D, H), full(D, H), full(1, H), full(1, H),
            full(H, D), full(1, D), full(1, D), full(1, D),
        ],
        out_specs=pl.BlockSpec((BN, D), lambda i: (i, 0)),
        out_shape=jax.ShapeDtypeStruct((N, D), jnp.float32),
    )(x, a0, a1, deg, a, b, wd, bm1, wm2, bm2, g, beta)



def kernel(x, edge_index, edge_feat, degrees, W1, b1, W2, b2,
           Wm1, bm1, Wm2, bm2, gamma, beta):
    src = edge_index[0]
    dst = edge_index[1]

    w = _edge_mlp(edge_feat.T, W1.T, b1[:, None], W2.T,
                  b2.reshape(1, 1)).reshape(E)

    pad = E_PAD - E
    fill = jnp.arange(pad, dtype=jnp.int32) % N
    dst_p = jnp.concatenate([dst, fill]).reshape(NCH, K)
    src_p = jnp.concatenate([src, fill]).reshape(NCH, K)
    w_p = jnp.pad(w, (0, pad)).reshape(NCH, K)
    edata = jnp.stack(
        [dst_p, src_p, w_p.view(jnp.int32)], axis=1)

    xp = jnp.pad(x, ((0, NP - N), (0, 0)))
    zrows = jnp.zeros((ROWS_PER_TILE, D), jnp.float32)

    agg2 = _sc_aggregate(xp, edata, zrows)

    out = _node_mlp(
        x, agg2[:N], agg2[NP:NP + N], degrees[:, None],
        Wm1[:D], Wm1[D:2 * D], Wm1[2 * D:2 * D + 1],
        bm1[None, :], Wm2, bm2[None, :], gamma[None, :], beta[None, :])
    return out

# --- scband reference (transcript-rebuilt; emitter-appended) ---
"""Pipeline reference for scband-residual-gnnlayer-32676111188083 (READ-ONLY COPY).

The authoritative reference and input builder live on the scoring server;
editing this copy changes nothing except your own understanding.
"""

import jax, jax.numpy as jnp
import numpy as np

N = 10000
E = 320000
D = 128
H = 256
EDGE_DIM = 3


def setup_inputs(seed: int = 0) -> dict:
    key = jax.random.key(seed)
    ks = jax.random.split(key, 10)
    x = jax.random.normal(ks[0], (N, D), dtype=jnp.float32)
    edge_index = jax.random.randint(ks[1], (2, E), 0, N, dtype=jnp.int32)
    edge_feat = jax.random.uniform(ks[2], (E, EDGE_DIM), dtype=jnp.float32)
    degrees = jax.random.uniform(ks[3], (N,), dtype=jnp.float32) * 64.0
    W1 = jax.random.normal(ks[4], (EDGE_DIM, H), dtype=jnp.float32) * 0.1
    b1 = jnp.zeros((H,), dtype=jnp.float32)
    W2 = jax.random.normal(ks[5], (H, 1), dtype=jnp.float32) * 0.1
    b2 = jnp.zeros((1,), dtype=jnp.float32)
    Wm1 = jax.random.normal(ks[6], (2 * D + 1, H), dtype=jnp.float32) * 0.05
    bm1 = jnp.zeros((H,), dtype=jnp.float32)
    Wm2 = jax.random.normal(ks[7], (H, D), dtype=jnp.float32) * 0.05
    bm2 = jnp.zeros((D,), dtype=jnp.float32)
    gamma = jnp.ones((D,), dtype=jnp.float32)
    beta = jnp.zeros((D,), dtype=jnp.float32)
    return {"x": x, "edge_index": edge_index, "edge_feat": edge_feat, "degrees": degrees,
            "W1": W1, "b1": b1, "W2": W2, "b2": b2,
            "Wm1": Wm1, "bm1": bm1, "Wm2": Wm2, "bm2": bm2,
            "gamma": gamma, "beta": beta}


def reference(x, edge_index, edge_feat, degrees, W1, b1, W2, b2, Wm1, bm1, Wm2, bm2, gamma, beta):
    src = edge_index[0]
    dst = edge_index[1]
    # EdgeAttention: Linear -> ReLU -> Linear -> Sigmoid, squeeze(-1) then unsqueeze(-1)
    h = jax.nn.relu(edge_feat @ W1 + b1)
    w = jax.nn.sigmoid(h @ W2 + b2)  # [E, 1]
    # message: gather x at dst, weight, scatter-add to src
    msg = jnp.take(x, dst, axis=0) * w
    agg = jnp.zeros_like(x).at[src].add(msg)
    deg = jnp.maximum(degrees, 1.0)[:, None]
    agg = agg / deg
    feat = jnp.concatenate([x, agg, degrees[:, None]], axis=-1)
    out = jax.nn.relu(feat @ Wm1 + bm1) @ Wm2 + bm2
    y = x + out
    # LayerNorm (biased variance, eps=1e-5)
    mean = jnp.mean(y, axis=-1, keepdims=True)
    var = jnp.var(y, axis=-1, keepdims=True)
    return (y - mean) / jnp.sqrt(var + 1e-5) * gamma + beta

if __name__ == "__main__":
    import jax
    _d = setup_inputs()
    print(jax.jit(kernel)(*tuple(_d.values())))

</pallas_src>

<mosaic_0001>
#map = affine_map<(d0, d1) -> (0, 0)>
#map1 = affine_map<(d0, d1) -> (0, 0, 0)>
module attributes {stable_mosaic.version = 14 : i64} {
  func.func @_sc_aggregate_body(%arg0: i32, %arg1: i32, %arg2: memref<10240x128xf32, #tpu.memory_space<hbm>>, %arg3: memref<2560x3x128xi32, #tpu.memory_space<hbm>>, %arg4: memref<640x128xf32, #tpu.memory_space<hbm>>, %arg5: memref<20480x128xf32, #tpu.memory_space<hbm>>, %arg6: memref<3x128xi32, #tpu.memory_space<vmem>>, %arg7: memref<3x128xi32, #tpu.memory_space<vmem>>, %arg8: memref<128x128xf32, #tpu.memory_space<vmem>>, %arg9: memref<128x128xf32, #tpu.memory_space<vmem>>, %arg10: memref<10240x128xf32, #tpu.memory_space<vmem_shared>>, %arg11: memref<!tpu.dma_semaphore, #tpu.memory_space<semaphore_mem>>, %arg12: memref<!tpu.dma_semaphore, #tpu.memory_space<semaphore_mem>>, %arg13: memref<!tpu.dma_semaphore, #tpu.memory_space<semaphore_mem>>, %arg14: memref<!tpu.dma_semaphore, #tpu.memory_space<semaphore_mem>>) attributes {dimension_semantics = [#tpu.dimension_semantics<core_parallel>, #tpu.dimension_semantics<subcore_parallel>], iteration_bounds = array<i64: 2, 16>, scalar_prefetch = 0 : i64, scratch_operands = 9 : i64, tpu.core_type = #tpu.core_type<sc_vector_subcore>, window_params = [{transform_indices = #map}, {transform_indices = #map1}, {transform_indices = #map}, {transform_indices = #map}]} {
    %mul3A = arith.constant 10240 : i32
    %mul3A_0 = arith.muli %arg0, %mul3A : i32
    %mul3A_1 = arith.constant 16 : i32
    %mul3A_2 = arith.muli %arg0, %mul3A_1 : i32
    %add3A = arith.addi %mul3A_2, %arg1 : i32
    %mul3A_3 = arith.constant 80 : i32
    %mul3A_4 = arith.muli %add3A, %mul3A_3 : i32
    %mul3A_5 = arith.constant 640 : i32
    %mul3A_6 = arith.muli %arg1, %mul3A_5 : i32
    "tpu.region"() ({
      %run_scoped3A = tpu.sem_alloc : memref<!tpu.dma_semaphore, #tpu.memory_space<semaphore_mem>>
      %dma_start3A_47 = arith.constant 0 : i32
      %dma_start3A_48 = tpu.memref_slice %arg10[%mul3A_6, %dma_start3A_47] : memref<10240x128xf32, #tpu.memory_space<vmem_shared>> -> memref<640x128xf32, #tpu.memory_space<vmem_shared>>
      tpu.enqueue_dma source(%arg4 : memref<640x128xf32, #tpu.memory_space<hbm>>) target(%dma_start3A_48 : memref<640x128xf32, #tpu.memory_space<vmem_shared>>) target_semaphore(%run_scoped3A : memref<!tpu.dma_semaphore, #tpu.memory_space<semaphore_mem>>)
      %dma_wait3A_49 = arith.constant 0 : i32
      %dma_wait3A_50 = tpu.memref_slice %arg10[%mul3A_6, %dma_wait3A_49] : memref<10240x128xf32, #tpu.memory_space<vmem_shared>> -> memref<640x128xf32, #tpu.memory_space<vmem_shared>>
      tpu.wait_dma2 semaphore(%run_scoped3A : memref<!tpu.dma_semaphore, #tpu.memory_space<semaphore_mem>>) src(%arg4 : memref<640x128xf32, #tpu.memory_space<hbm>>) dst(%dma_wait3A_50 : memref<640x128xf32, #tpu.memory_space<vmem_shared>>)
      tpu.yield
    }) : () -> ()
    %barrier3A = arith.constant 0 : index
    tpu.barrier barrier_id(%barrier3A)
    %dma_start3A = arith.constant 0 : i32
    %dma_start3A_7 = arith.constant 0 : i32
    %dma_start3A_8 = tpu.memref_slice %arg3[%mul3A_4, %dma_start3A, %dma_start3A_7] : memref<2560x3x128xi32, #tpu.memory_space<hbm>> -> memref<1x3x128xi32, #tpu.memory_space<hbm>>
    %dma_start3A_9 = tpu.memref_squeeze %dma_start3A_8 : memref<1x3x128xi32, #tpu.memory_space<hbm>> -> memref<3x128xi32, #tpu.memory_space<hbm>>
    %dma_start3A_10 = arith.constant 0 : i32
    %dma_start3A_11 = arith.constant 0 : i32
    %dma_start3A_12 = tpu.memref_slice %arg3[%mul3A_4, %dma_start3A_10, %dma_start3A_11] : memref<2560x3x128xi32, #tpu.memory_space<hbm>> -> memref<1x3x128xi32, #tpu.memory_space<hbm>>
    %dma_start3A_13 = tpu.memref_squeeze %dma_start3A_12 : memref<1x3x128xi32, #tpu.memory_space<hbm>> -> memref<3x128xi32, #tpu.memory_space<hbm>>
    tpu.enqueue_dma source(%dma_start3A_13 : memref<3x128xi32, #tpu.memory_space<hbm>>) target(%arg6 : memref<3x128xi32, #tpu.memory_space<vmem>>) target_semaphore(%arg11 : memref<!tpu.dma_semaphore, #tpu.memory_space<semaphore_mem>>)
    %dma_wait3A = arith.constant 0 : i32
    %dma_wait3A_14 = arith.constant 0 : i32
    %dma_wait3A_15 = tpu.memref_slice %arg3[%mul3A_4, %dma_wait3A, %dma_wait3A_14] : memref<2560x3x128xi32, #tpu.memory_space<hbm>> -> memref<1x3x128xi32, #tpu.memory_space<hbm>>
    %dma_wait3A_16 = tpu.memref_squeeze %dma_wait3A_15 : memref<1x3x128xi32, #tpu.memory_space<hbm>> -> memref<3x128xi32, #tpu.memory_space<hbm>>
    %dma_wait3A_17 = arith.constant 0 : i32
    %dma_wait3A_18 = arith.constant 0 : i32
    %dma_wait3A_19 = tpu.memref_slice %arg3[%mul3A_4, %dma_wait3A_17, %dma_wait3A_18] : memref<2560x3x128xi32, #tpu.memory_space<hbm>> -> memref<1x3x128xi32, #tpu.memory_space<hbm>>
    %dma_wait3A_20 = tpu.memref_squeeze %dma_wait3A_19 : memref<1x3x128xi32, #tpu.memory_space<hbm>> -> memref<3x128xi32, #tpu.memory_space<hbm>>
    tpu.wait_dma2 semaphore(%arg11 : memref<!tpu.dma_semaphore, #tpu.memory_space<semaphore_mem>>) src(%dma_wait3A_20 : memref<3x128xi32, #tpu.memory_space<hbm>>) dst(%arg6 : memref<3x128xi32, #tpu.memory_space<vmem>>)
    %dma_start3A_21 = arith.constant 0 : i32
    %dma_start3A_22 = arith.constant 0 : i32
    %dma_start3A_23 = tpu.memref_slice %arg6[%dma_start3A_21, %dma_start3A_22] : memref<3x128xi32, #tpu.memory_space<vmem>> -> memref<1x128xi32, #tpu.memory_space<vmem>>
    %dma_start3A_24 = tpu.memref_squeeze %dma_start3A_23 : memref<1x128xi32, #tpu.memory_space<vmem>> -> memref<128xi32, #tpu.memory_space<vmem>>
    %dma_start3A_25 = arith.constant 0 : i32
    %dma_start3A_26 = arith.constant 0 : i32
    %dma_start3A_27 = tpu.memref_slice %arg2[%dma_start3A_25, %dma_start3A_26] : memref<10240x128xf32, #tpu.memory_space<hbm>> -> memref<10240x128xf32, #tpu.memory_space<hbm>>
    tpu.enqueue_indirect_dma source(%dma_start3A_27 : memref<10240x128xf32, #tpu.memory_space<hbm>>) target(%arg8 : memref<128x128xf32, #tpu.memory_space<vmem>>) offsets(%dma_start3A_24 : memref<128xi32, #tpu.memory_space<vmem>>) semaphore(%arg13 : memref<!tpu.dma_semaphore, #tpu.memory_space<semaphore_mem>>)
    %scan3A = arith.constant 0 : i32
    %scan3A_28 = arith.constant 0 : i32
    %scan3A_29 = arith.constant 40 : i32
    %scan3A_30 = arith.addi %scan3A_28, %scan3A_29 : i32
    %scan3A_31 = arith.constant 1 : i32
    %scan3A_32 = scf.for %scan3A_47 = %scan3A_28 to %scan3A_30 step %scan3A_31 iter_args(%scan3A_48 = %scan3A) -> (i32)  : i32 {
      %mul3A_49 = arith.constant 2 : i32
      %mul3A_50 = arith.muli %mul3A_49, %scan3A_47 : i32
      %add3A_51 = arith.constant 0 : i32
      %add3A_52 = arith.addi %mul3A_50, %add3A_51 : i32
      %add3A_53 = arith.constant 1 : i32
      %add3A_54 = arith.addi %add3A_52, %add3A_53 : i32
      %min3A = arith.constant 79 : i32
      %min3A_55 = arith.minsi %add3A_54, %min3A : i32
      %add3A_56 = arith.addi %mul3A_4, %min3A_55 : i32
      %dma_start3A_57 = arith.constant 0 : i32
      %dma_start3A_58 = arith.constant 0 : i32
      %dma_start3A_59 = tpu.memref_slice %arg3[%add3A_56, %dma_start3A_57, %dma_start3A_58] : memref<2560x3x128xi32, #tpu.memory_space<hbm>> -> memref<1x3x128xi32, #tpu.memory_space<hbm>>
      %dma_start3A_60 = tpu.memref_squeeze %dma_start3A_59 : memref<1x3x128xi32, #tpu.memory_space<hbm>> -> memref<3x128xi32, #tpu.memory_space<hbm>>
      %dma_start3A_61 = arith.constant 0 : i32
      %dma_start3A_62 = arith.constant 0 : i32
      %dma_start3A_63 = tpu.memref_slice %arg3[%add3A_56, %dma_start3A_61, %dma_start3A_62] : memref<2560x3x128xi32, #tpu.memory_space<hbm>> -> memref<1x3x128xi32, #tpu.memory_space<hbm>>
      %dma_start3A_64 = tpu.memref_squeeze %dma_start3A_63 : memref<1x3x128xi32, #tpu.memory_space<hbm>> -> memref<3x128xi32, #tpu.memory_space<hbm>>
      tpu.enqueue_dma source(%dma_start3A_64 : memref<3x128xi32, #tpu.memory_space<hbm>>) target(%arg7 : memref<3x128xi32, #tpu.memory_space<vmem>>) target_semaphore(%arg12 : memref<!tpu.dma_semaphore, #tpu.memory_space<semaphore_mem>>)
      %dma_wait3A_65 = arith.constant 0 : i32
      %dma_wait3A_66 = arith.constant 0 : i32
      %dma_wait3A_67 = tpu.memref_slice %arg3[%add3A_56, %dma_wait3A_65, %dma_wait3A_66] : memref<2560x3x128xi32, #tpu.memory_space<hbm>> -> memref<1x3x128xi32, #tpu.memory_space<hbm>>
      %dma_wait3A_68 = tpu.memref_squeeze %dma_wait3A_67 : memref<1x3x128xi32, #tpu.memory_space<hbm>> -> memref<3x128xi32, #tpu.memory_space<hbm>>
      %dma_wait3A_69 = arith.constant 0 : i32
      %dma_wait3A_70 = arith.constant 0 : i32
      %dma_wait3A_71 = tpu.memref_slice %arg3[%add3A_56, %dma_wait3A_69, %dma_wait3A_70] : memref<2560x3x128xi32, #tpu.memory_space<hbm>> -> memref<1x3x128xi32, #tpu.memory_space<hbm>>
      %dma_wait3A_72 = tpu.memref_squeeze %dma_wait3A_71 : memref<1x3x128xi32, #tpu.memory_space<hbm>> -> memref<3x128xi32, #tpu.memory_space<hbm>>
      tpu.wait_dma2 semaphore(%arg12 : memref<!tpu.dma_semaphore, #tpu.memory_space<semaphore_mem>>) src(%dma_wait3A_72 : memref<3x128xi32, #tpu.memory_space<hbm>>) dst(%arg7 : memref<3x128xi32, #tpu.memory_space<vmem>>)
      %dma_start3A_73 = arith.constant 0 : i32
      %dma_start3A_74 = arith.constant 0 : i32
      %dma_start3A_75 = tpu.memref_slice %arg7[%dma_start3A_73, %dma_start3A_74] : memref<3x128xi32, #tpu.memory_space<vmem>> -> memref<1x128xi32, #tpu.memory_space<vmem>>
      %dma_start3A_76 = tpu.memref_squeeze %dma_start3A_75 : memref<1x128xi32, #tpu.memory_space<vmem>> -> memref<128xi32, #tpu.memory_space<vmem>>
      %dma_start3A_77 = arith.constant 0 : i32
      %dma_start3A_78 = arith.constant 0 : i32
      %dma_start3A_79 = tpu.memref_slice %arg2[%dma_start3A_77, %dma_start3A_78] : memref<10240x128xf32, #tpu.memory_space<hbm>> -> memref<10240x128xf32, #tpu.memory_space<hbm>>
      tpu.enqueue_indirect_dma source(%dma_start3A_79 : memref<10240x128xf32, #tpu.memory_space<hbm>>) target(%arg9 : memref<128x128xf32, #tpu.memory_space<vmem>>) offsets(%dma_start3A_76 : memref<128xi32, #tpu.memory_space<vmem>>) semaphore(%arg14 : memref<!tpu.dma_semaphore, #tpu.memory_space<semaphore_mem>>)
      %dma_wait3A_80 = arith.constant 0 : i32
      %dma_wait3A_81 = arith.constant 0 : i32
      %dma_wait3A_82 = tpu.memref_slice %arg6[%dma_wait3A_80, %dma_wait3A_81] : memref<3x128xi32, #tpu.memory_space<vmem>> -> memref<1x128xi32, #tpu.memory_space<vmem>>
      %dma_wait3A_83 = tpu.memref_squeeze %dma_wait3A_82 : memref<1x128xi32, #tpu.memory_space<vmem>> -> memref<128xi32, #tpu.memory_space<vmem>>
      %dma_wait3A_84 = arith.constant 0 : i32
      %dma_wait3A_85 = arith.constant 0 : i32
      %dma_wait3A_86 = tpu.memref_slice %arg2[%dma_wait3A_84, %dma_wait3A_85] : memref<10240x128xf32, #tpu.memory_space<hbm>> -> memref<10240x128xf32, #tpu.memory_space<hbm>>
      tpu.wait_indirect_dma semaphore(%arg13 : memref<!tpu.dma_semaphore, #tpu.memory_space<semaphore_mem>>) src(%dma_wait3A_86 : memref<10240x128xf32, #tpu.memory_space<hbm>>) dst(%arg8 : memref<128x128xf32, #tpu.memory_space<vmem>>)
      %broadcast_in_dim3A = arith.constant 2 : i32
      %broadcast_in_dim3A_87 = vector.broadcast %broadcast_in_dim3A : i32 to vector<16xi32>
      %parallel_loop3A = arith.constant 0 : i32
      %parallel_loop3A_88 = arith.constant 128 : i32
      %parallel_loop3A_89 = arith.constant 1 : i32
      scf.for %parallel_loop3A_136 = %parallel_loop3A to %parallel_loop3A_88 step %parallel_loop3A_89  : i32 {
        %parallel_loop3A_137 = vector.broadcast %parallel_loop3A_136 : i32 to vector<16xi32>
        %parallel_loop3A_138 = tpu.vector_load_idx %arg6[%broadcast_in_dim3A_87, %parallel_loop3A_137] : memref<3x128xi32, #tpu.memory_space<vmem>>[vector<16xi32>, vector<16xi32>], vector<16xi32>,
        %parallel_loop3A_139 = vector.bitcast %parallel_loop3A_138 : vector<16xi32> to vector<16xf32>
        %parallel_loop3A_140 = arith.index_cast %parallel_loop3A_136 : i32 to index
        %parallel_loop3A_141 = arith.constant 0 : index
        %parallel_loop3A_142 = tpu.vector_load %arg8[%parallel_loop3A_140, %parallel_loop3A_141] {strides = array<i32>} : memref<128x128xf32, #tpu.memory_space<vmem>>, vector<16xf32>,
        %parallel_loop3A_143 = arith.mulf %parallel_loop3A_142, %parallel_loop3A_139 : vector<16xf32>
        %parallel_loop3A_144 = arith.index_cast %parallel_loop3A_136 : i32 to index
        %parallel_loop3A_145 = arith.constant 0 : index
        %parallel_loop3A_146 = tpu.vector_load %arg8[%parallel_loop3A_144, %parallel_loop3A_145] {strides = array<i32>} : memref<128x128xf32, #tpu.memory_space<vmem>>, vector<16xf32>,
        tpu.vector_store %arg8[%parallel_loop3A_144, %parallel_loop3A_145], %parallel_loop3A_143 {strides = array<i32>} : memref<128x128xf32, #tpu.memory_space<vmem>>, vector<16xf32>,
        %parallel_loop3A_147 = arith.index_cast %parallel_loop3A_136 : i32 to index
        %parallel_loop3A_148 = arith.constant 16 : index
        %parallel_loop3A_149 = tpu.vector_load %arg8[%parallel_loop3A_147, %parallel_loop3A_148] {strides = array<i32>} : memref<128x128xf32, #tpu.memory_space<vmem>>, vector<16xf32>,
        %parallel_loop3A_150 = arith.mulf %parallel_loop3A_149, %parallel_loop3A_139 : vector<16xf32>
        %parallel_loop3A_151 = arith.index_cast %parallel_loop3A_136 : i32 to index
        %parallel_loop3A_152 = arith.constant 16 : index
        %parallel_loop3A_153 = tpu.vector_load %arg8[%parallel_loop3A_151, %parallel_loop3A_152] {strides = array<i32>} : memref<128x128xf32, #tpu.memory_space<vmem>>, vector<16xf32>,
        tpu.vector_store %arg8[%parallel_loop3A_151, %parallel_loop3A_152], %parallel_loop3A_150 {strides = array<i32>} : memref<128x128xf32, #tpu.memory_space<vmem>>, vector<16xf32>,
        %parallel_loop3A_154 = arith.index_cast %parallel_loop3A_136 : i32 to index
        %parallel_loop3A_155 = arith.constant 32 : index
        %parallel_loop3A_156 = tpu.vector_load %arg8[%parallel_loop3A_154, %parallel_loop3A_155] {strides = array<i32>} : memref<128x128xf32, #tpu.memory_space<vmem>>, vector<16xf32>,
        %parallel_loop3A_157 = arith.mulf %parallel_loop3A_156, %parallel_loop3A_139 : vector<16xf32>
        %parallel_loop3A_158 = arith.index_cast %parallel_loop3A_136 : i32 to index
        %parallel_loop3A_159 = arith.constant 32 : index
        %parallel_loop3A_160 = tpu.vector_load %arg8[%parallel_loop3A_158, %parallel_loop3A_159] {strides = array<i32>} : memref<128x128xf32, #tpu.memory_space<vmem>>, vector<16xf32>,
        tpu.vector_store %arg8[%parallel_loop3A_158, %parallel_loop3A_159], %parallel_loop3A_157 {strides = array<i32>} : memref<128x128xf32, #tpu.memory_space<vmem>>, vector<16xf32>,
        %parallel_loop3A_161 = arith.index_cast %parallel_loop3A_136 : i32 to index
        %parallel_loop3A_162 = arith.constant 48 : index
        %parallel_loop3A_163 = tpu.vector_load %arg8[%parallel_loop3A_161, %parallel_loop3A_162] {strides = array<i32>} : memref<128x128xf32, #tpu.memory_space<vmem>>, vector<16xf32>,
        %parallel_loop3A_164 = arith.mulf %parallel_loop3A_163, %parallel_loop3A_139 : vector<16xf32>
        %parallel_loop3A_165 = arith.index_cast %parallel_loop3A_136 : i32 to index
        %parallel_loop3A_166 = arith.constant 48 : index
        %parallel_loop3A_167 = tpu.vector_load %arg8[%parallel_loop3A_165, %parallel_loop3A_166] {strides = array<i32>} : memref<128x128xf32, #tpu.memory_space<vmem>>, vector<16xf32>,
        tpu.vector_store %arg8[%parallel_loop3A_165, %parallel_loop3A_166], %parallel_loop3A_164 {strides = array<i32>} : memref<128x128xf32, #tpu.memory_space<vmem>>, vector<16xf32>,
        %parallel_loop3A_168 = arith.index_cast %parallel_loop3A_136 : i32 to index
        %parallel_loop3A_169 = arith.constant 64 : index
        %parallel_loop3A_170 = tpu.vector_load %arg8[%parallel_loop3A_168, %parallel_loop3A_169] {strides = array<i32>} : memref<128x128xf32, #tpu.memory_space<vmem>>, vector<16xf32>,
        %parallel_loop3A_171 = arith.mulf %parallel_loop3A_170, %parallel_loop3A_139 : vector<16xf32>
        %parallel_loop3A_172 = arith.index_cast %parallel_loop3A_136 : i32 to index
        %parallel_loop3A_173 = arith.constant 64 : index
        %parallel_loop3A_174 = tpu.vector_load %arg8[%parallel_loop3A_172, %parallel_loop3A_173] {strides = array<i32>} : memref<128x128xf32, #tpu.memory_space<vmem>>, vector<16xf32>,
        tpu.vector_store %arg8[%parallel_loop3A_172, %parallel_loop3A_173], %parallel_loop3A_171 {strides = array<i32>} : memref<128x128xf32, #tpu.memory_space<vmem>>, vector<16xf32>,
        %parallel_loop3A_175 = arith.index_cast %parallel_loop3A_136 : i32 to index
        %parallel_loop3A_176 = arith.constant 80 : index
        %parallel_loop3A_177 = tpu.vector_load %arg8[%parallel_loop3A_175, %parallel_loop3A_176] {strides = array<i32>} : memref<128x128xf32, #tpu.memory_space<vmem>>, vector<16xf32>,
        %parallel_loop3A_178 = arith.mulf %parallel_loop3A_177, %parallel_loop3A_139 : vector<16xf32>
        %parallel_loop3A_179 = arith.index_cast %parallel_loop3A_136 : i32 to index
        %parallel_loop3A_180 = arith.constant 80 : index
        %parallel_loop3A_181 = tpu.vector_load %arg8[%parallel_loop3A_179, %parallel_loop3A_180] {strides = array<i32>} : memref<128x128xf32, #tpu.memory_space<vmem>>, vector<16xf32>,
        tpu.vector_store %arg8[%parallel_loop3A_179, %parallel_loop3A_180], %parallel_loop3A_178 {strides = array<i32>} : memref<128x128xf32, #tpu.memory_space<vmem>>, vector<16xf32>,
        %parallel_loop3A_182 = arith.index_cast %parallel_loop3A_136 : i32 to index
        %parallel_loop3A_183 = arith.constant 96 : index
        %parallel_loop3A_184 = tpu.vector_load %arg8[%parallel_loop3A_182, %parallel_loop3A_183] {strides = array<i32>} : memref<128x128xf32, #tpu.memory_space<vmem>>, vector<16xf32>,
        %parallel_loop3A_185 = arith.mulf %parallel_loop3A_184, %parallel_loop3A_139 : vector<16xf32>
        %parallel_loop3A_186 = arith.index_cast %parallel_loop3A_136 : i32 to index
        %parallel_loop3A_187 = arith.constant 96 : index
        %parallel_loop3A_188 = tpu.vector_load %arg8[%parallel_loop3A_186, %parallel_loop3A_187] {strides = array<i32>} : memref<128x128xf32, #tpu.memory_space<vmem>>, vector<16xf32>,
        tpu.vector_store %arg8[%parallel_loop3A_186, %parallel_loop3A_187], %parallel_loop3A_185 {strides = array<i32>} : memref<128x128xf32, #tpu.memory_space<vmem>>, vector<16xf32>,
        %parallel_loop3A_189 = arith.index_cast %parallel_loop3A_136 : i32 to index
        %parallel_loop3A_190 = arith.constant 112 : index
        %parallel_loop3A_191 = tpu.vector_load %arg8[%parallel_loop3A_189, %parallel_loop3A_190] {strides = array<i32>} : memref<128x128xf32, #tpu.memory_space<vmem>>, vector<16xf32>,
        %parallel_loop3A_192 = arith.mulf %parallel_loop3A_191, %parallel_loop3A_139 : vector<16xf32>
        %parallel_loop3A_193 = arith.index_cast %parallel_loop3A_136 : i32 to index
        %parallel_loop3A_194 = arith.constant 112 : index
        %parallel_loop3A_195 = tpu.vector_load %arg8[%parallel_loop3A_193, %parallel_loop3A_194] {strides = array<i32>} : memref<128x128xf32, #tpu.memory_space<vmem>>, vector<16xf32>,
        tpu.vector_store %arg8[%parallel_loop3A_193, %parallel_loop3A_194], %parallel_loop3A_192 {strides = array<i32>} : memref<128x128xf32, #tpu.memory_space<vmem>>, vector<16xf32>,
      } {sc.loop_unroll_factor = 4 : i64, sc.parallel_access}
      %run_scoped3A = arith.constant 1 : i32
      "tpu.region"() ({
        %run_scoped3A_136 = tpu.sem_alloc : memref<!tpu.dma_semaphore, #tpu.memory_space<semaphore_mem>>
        %dma_start3A_137 = arith.constant 0 : i32
        %dma_start3A_138 = tpu.memref_slice %arg6[%run_scoped3A, %dma_start3A_137] : memref<3x128xi32, #tpu.memory_space<vmem>> -> memref<1x128xi32, #tpu.memory_space<vmem>>
        %dma_start3A_139 = tpu.memref_squeeze %dma_start3A_138 : memref<1x128xi32, #tpu.memory_space<vmem>> -> memref<128xi32, #tpu.memory_space<vmem>>
        %dma_start3A_140 = arith.constant 0 : i32
        %dma_start3A_141 = arith.constant 0 : i32
        %dma_start3A_142 = tpu.memref_slice %arg10[%dma_start3A_140, %dma_start3A_141] : memref<10240x128xf32, #tpu.memory_space<vmem_shared>> -> memref<10240x128xf32, #tpu.memory_space<vmem_shared>>
        tpu.enqueue_indirect_dma source(%arg8 : memref<128x128xf32, #tpu.memory_space<vmem>>) target(%dma_start3A_142 : memref<10240x128xf32, #tpu.memory_space<vmem_shared>>) offsets(%dma_start3A_139 : memref<128xi32, #tpu.memory_space<vmem>>) semaphore(%run_scoped3A_136 : memref<!tpu.dma_semaphore, #tpu.memory_space<semaphore_mem>>) {add = true}
        %dma_wait3A_143 = arith.constant 0 : i32
        %dma_wait3A_144 = tpu.memref_slice %arg6[%run_scoped3A, %dma_wait3A_143] : memref<3x128xi32, #tpu.memory_space<vmem>> -> memref<1x128xi32, #tpu.memory_space<vmem>>
        %dma_wait3A_145 = tpu.memref_squeeze %dma_wait3A_144 : memref<1x128xi32, #tpu.memory_space<vmem>> -> memref<128xi32, #tpu.memory_space<vmem>>
        %dma_wait3A_146 = arith.constant 0 : i32
        %dma_wait3A_147 = arith.constant 0 : i32
        %dma_wait3A_148 = tpu.memref_slice %arg10[%dma_wait3A_146, %dma_wait3A_147] : memref<10240x128xf32, #tpu.memory_space<vmem_shared>> -> memref<10240x128xf32, #tpu.memory_space<vmem_shared>>
        tpu.wait_indirect_dma semaphore(%run_scoped3A_136 : memref<!tpu.dma_semaphore, #tpu.memory_space<semaphore_mem>>) src(%arg8 : memref<128x128xf32, #tpu.memory_space<vmem>>) dst(%dma_wait3A_148 : memref<10240x128xf32, #tpu.memory_space<vmem_shared>>)
        tpu.yield
      }) : () -> ()
      %mul3A_90 = arith.constant 2 : i32
      %mul3A_91 = arith.muli %mul3A_90, %scan3A_47 : i32
      %add3A_92 = arith.constant 1 : i32
      %add3A_93 = arith.addi %mul3A_91, %add3A_92 : i32
      %add3A_94 = arith.constant 1 : i32
      %add3A_95 = arith.addi %add3A_93, %add3A_94 : i32
      %min3A_96 = arith.constant 79 : i32
      %min3A_97 = arith.minsi %add3A_95, %min3A_96 : i32
      %add3A_98 = arith.addi %mul3A_4, %min3A_97 : i32
      %dma_start3A_99 = arith.constant 0 : i32
      %dma_start3A_100 = arith.constant 0 : i32
      %dma_start3A_101 = tpu.memref_slice %arg3[%add3A_98, %dma_start3A_99, %dma_start3A_100] : memref<2560x3x128xi32, #tpu.memory_space<hbm>> -> memref<1x3x128xi32, #tpu.memory_space<hbm>>
      %dma_start3A_102 = tpu.memref_squeeze %dma_start3A_101 : memref<1x3x128xi32, #tpu.memory_space<hbm>> -> memref<3x128xi32, #tpu.memory_space<hbm>>
      %dma_start3A_103 = arith.constant 0 : i32
      %dma_start3A_104 = arith.constant 0 : i32
      %dma_start3A_105 = tpu.memref_slice %arg3[%add3A_98, %dma_start3A_103, %dma_start3A_104] : memref<2560x3x128xi32, #tpu.memory_space<hbm>> -> memref<1x3x128xi32, #tpu.memory_space<hbm>>
      %dma_start3A_106 = tpu.memref_squeeze %dma_start3A_105 : memref<1x3x128xi32, #tpu.memory_space<hbm>> -> memref<3x128xi32, #tpu.memory_space<hbm>>
      tpu.enqueue_dma source(%dma_start3A_106 : memref<3x128xi32, #tpu.memory_space<hbm>>) target(%arg6 : memref<3x128xi32, #tpu.memory_space<vmem>>) target_semaphore(%arg11 : memref<!tpu.dma_semaphore, #tpu.memory_space<semaphore_mem>>)
      %dma_wait3A_107 = arith.constant 0 : i32
      %dma_wait3A_108 = arith.constant 0 : i32
      %dma_wait3A_109 = tpu.memref_slice %arg3[%add3A_98, %dma_wait3A_107, %dma_wait3A_108] : memref<2560x3x128xi32, #tpu.memory_space<hbm>> -> memref<1x3x128xi32, #tpu.memory_space<hbm>>
      %dma_wait3A_110 = tpu.memref_squeeze %dma_wait3A_109 : memref<1x3x128xi32, #tpu.memory_space<hbm>> -> memref<3x128xi32, #tpu.memory_space<hbm>>
      %dma_wait3A_111 = arith.constant 0 : i32
      %dma_wait3A_112 = arith.constant 0 : i32
      %dma_wait3A_113 = tpu.memref_slice %arg3[%add3A_98, %dma_wait3A_111, %dma_wait3A_112] : memref<2560x3x128xi32, #tpu.memory_space<hbm>> -> memref<1x3x128xi32, #tpu.memory_space<hbm>>
      %dma_wait3A_114 = tpu.memref_squeeze %dma_wait3A_113 : memref<1x3x128xi32, #tpu.memory_space<hbm>> -> memref<3x128xi32, #tpu.memory_space<hbm>>
      tpu.wait_dma2 semaphore(%arg11 : memref<!tpu.dma_semaphore, #tpu.memory_space<semaphore_mem>>) src(%dma_wait3A_114 : memref<3x128xi32, #tpu.memory_space<hbm>>) dst(%arg6 : memref<3x128xi32, #tpu.memory_space<vmem>>)
      %dma_start3A_115 = arith.constant 0 : i32
      %dma_start3A_116 = arith.constant 0 : i32
      %dma_start3A_117 = tpu.memref_slice %arg6[%dma_start3A_115, %dma_start3A_116] : memref<3x128xi32, #tpu.memory_space<vmem>> -> memref<1x128xi32, #tpu.memory_space<vmem>>
      %dma_start3A_118 = tpu.memref_squeeze %dma_start3A_117 : memref<1x128xi32, #tpu.memory_space<vmem>> -> memref<128xi32, #tpu.memory_space<vmem>>
      %dma_start3A_119 = arith.constant 0 : i32
      %dma_start3A_120 = arith.constant 0 : i32
      %dma_start3A_121 = tpu.memref_slice %arg2[%dma_start3A_119, %dma_start3A_120] : memref<10240x128xf32, #tpu.memory_space<hbm>> -> memref<10240x128xf32, #tpu.memory_space<hbm>>
      tpu.enqueue_indirect_dma source(%dma_start3A_121 : memref<10240x128xf32, #tpu.memory_space<hbm>>) target(%arg8 : memref<128x128xf32, #tpu.memory_space<vmem>>) offsets(%dma_start3A_118 : memref<128xi32, #tpu.memory_space<vmem>>) semaphore(%arg13 : memref<!tpu.dma_semaphore, #tpu.memory_space<semaphore_mem>>)
      %dma_wait3A_122 = arith.constant 0 : i32
      %dma_wait3A_123 = arith.constant 0 : i32
      %dma_wait3A_124 = tpu.memref_slice %arg7[%dma_wait3A_122, %dma_wait3A_123] : memref<3x128xi32, #tpu.memory_space<vmem>> -> memref<1x128xi32, #tpu.memory_space<vmem>>
      %dma_wait3A_125 = tpu.memref_squeeze %dma_wait3A_124 : memref<1x128xi32, #tpu.memory_space<vmem>> -> memref<128xi32, #tpu.memory_space<vmem>>
      %dma_wait3A_126 = arith.constant 0 : i32
      %dma_wait3A_127 = arith.constant 0 : i32
      %dma_wait3A_128 = tpu.memref_slice %arg2[%dma_wait3A_126, %dma_wait3A_127] : memref<10240x128xf32, #tpu.memory_space<hbm>> -> memref<10240x128xf32, #tpu.memory_space<hbm>>
      tpu.wait_indirect_dma semaphore(%arg14 : memref<!tpu.dma_semaphore, #tpu.memory_space<semaphore_mem>>) src(%dma_wait3A_128 : memref<10240x128xf32, #tpu.memory_space<hbm>>) dst(%arg9 : memref<128x128xf32, #tpu.memory_space<vmem>>)
      %broadcast_in_dim3A_129 = arith.constant 2 : i32
      %broadcast_in_dim3A_130 = vector.broadcast %broadcast_in_dim3A_129 : i32 to vector<16xi32>
      %parallel_loop3A_131 = arith.constant 0 : i32
      %parallel_loop3A_132 = arith.constant 128 : i32
      %parallel_loop3A_133 = arith.constant 1 : i32
      scf.for %parallel_loop3A_136 = %parallel_loop3A_131 to %parallel_loop3A_132 step %parallel_loop3A_133  : i32 {
        %parallel_loop3A_137 = vector.broadcast %parallel_loop3A_136 : i32 to vector<16xi32>
        %parallel_loop3A_138 = tpu.vector_load_idx %arg7[%broadcast_in_dim3A_130, %parallel_loop3A_137] : memref<3x128xi32, #tpu.memory_space<vmem>>[vector<16xi32>, vector<16xi32>], vector<16xi32>,
        %parallel_loop3A_139 = vector.bitcast %parallel_loop3A_138 : vector<16xi32> to vector<16xf32>
        %parallel_loop3A_140 = arith.index_cast %parallel_loop3A_136 : i32 to index
        %parallel_loop3A_141 = arith.constant 0 : index
        %parallel_loop3A_142 = tpu.vector_load %arg9[%parallel_loop3A_140, %parallel_loop3A_141] {strides = array<i32>} : memref<128x128xf32, #tpu.memory_space<vmem>>, vector<16xf32>,
        %parallel_loop3A_143 = arith.mulf %parallel_loop3A_142, %parallel_loop3A_139 : vector<16xf32>
        %parallel_loop3A_144 = arith.index_cast %parallel_loop3A_136 : i32 to index
        %parallel_loop3A_145 = arith.constant 0 : index
        %parallel_loop3A_146 = tpu.vector_load %arg9[%parallel_loop3A_144, %parallel_loop3A_145] {strides = array<i32>} : memref<128x128xf32, #tpu.memory_space<vmem>>, vector<16xf32>,
        tpu.vector_store %arg9[%parallel_loop3A_144, %parallel_loop3A_145], %parallel_loop3A_143 {strides = array<i32>} : memref<128x128xf32, #tpu.memory_space<vmem>>, vector<16xf32>,
        %parallel_loop3A_147 = arith.index_cast %parallel_loop3A_136 : i32 to index
        %parallel_loop3A_148 = arith.constant 16 : index
        %parallel_loop3A_149 = tpu.vector_load %arg9[%parallel_loop3A_147, %parallel_loop3A_148] {strides = array<i32>} : memref<128x128xf32, #tpu.memory_space<vmem>>, vector<16xf32>,
        %parallel_loop3A_150 = arith.mulf %parallel_loop3A_149, %parallel_loop3A_139 : vector<16xf32>
        %parallel_loop3A_151 = arith.index_cast %parallel_loop3A_136 : i32 to index
        %parallel_loop3A_152 = arith.constant 16 : index
        %parallel_loop3A_153 = tpu.vector_load %arg9[%parallel_loop3A_151, %parallel_loop3A_152] {strides = array<i32>} : memref<128x128xf32, #tpu.memory_space<vmem>>, vector<16xf32>,
        tpu.vector_store %arg9[%parallel_loop3A_151, %parallel_loop3A_152], %parallel_loop3A_150 {strides = array<i32>} : memref<128x128xf32, #tpu.memory_space<vmem>>, vector<16xf32>,
        %parallel_loop3A_154 = arith.index_cast %parallel_loop3A_136 : i32 to index
        %parallel_loop3A_155 = arith.constant 32 : index
        %parallel_loop3A_156 = tpu.vector_load %arg9[%parallel_loop3A_154, %parallel_loop3A_155] {strides = array<i32>} : memref<128x128xf32, #tpu.memory_space<vmem>>, vector<16xf32>,
        %parallel_loop3A_157 = arith.mulf %parallel_loop3A_156, %parallel_loop3A_139 : vector<16xf32>
        %parallel_loop3A_158 = arith.index_cast %parallel_loop3A_136 : i32 to index
        %parallel_loop3A_159 = arith.constant 32 : index
        %parallel_loop3A_160 = tpu.vector_load %arg9[%parallel_loop3A_158, %parallel_loop3A_159] {strides = array<i32>} : memref<128x128xf32, #tpu.memory_space<vmem>>, vector<16xf32>,
        tpu.vector_store %arg9[%parallel_loop3A_158, %parallel_loop3A_159], %parallel_loop3A_157 {strides = array<i32>} : memref<128x128xf32, #tpu.memory_space<vmem>>, vector<16xf32>,
        %parallel_loop3A_161 = arith.index_cast %parallel_loop3A_136 : i32 to index
        %parallel_loop3A_162 = arith.constant 48 : index
        %parallel_loop3A_163 = tpu.vector_load %arg9[%parallel_loop3A_161, %parallel_loop3A_162] {strides = array<i32>} : memref<128x128xf32, #tpu.memory_space<vmem>>, vector<16xf32>,
        %parallel_loop3A_164 = arith.mulf %parallel_loop3A_163, %parallel_loop3A_139 : vector<16xf32>
        %parallel_loop3A_165 = arith.index_cast %parallel_loop3A_136 : i32 to index
        %parallel_loop3A_166 = arith.constant 48 : index
        %parallel_loop3A_167 = tpu.vector_load %arg9[%parallel_loop3A_165, %parallel_loop3A_166] {strides = array<i32>} : memref<128x128xf32, #tpu.memory_space<vmem>>, vector<16xf32>,
        tpu.vector_store %arg9[%parallel_loop3A_165, %parallel_loop3A_166], %parallel_loop3A_164 {strides = array<i32>} : memref<128x128xf32, #tpu.memory_space<vmem>>, vector<16xf32>,
        %parallel_loop3A_168 = arith.index_cast %parallel_loop3A_136 : i32 to index
        %parallel_loop3A_169 = arith.constant 64 : index
        %parallel_loop3A_170 = tpu.vector_load %arg9[%parallel_loop3A_168, %parallel_loop3A_169] {strides = array<i32>} : memref<128x128xf32, #tpu.memory_space<vmem>>, vector<16xf32>,
        %parallel_loop3A_171 = arith.mulf %parallel_loop3A_170, %parallel_loop3A_139 : vector<16xf32>
        %parallel_loop3A_172 = arith.index_cast %parallel_loop3A_136 : i32 to index
        %parallel_loop3A_173 = arith.constant 64 : index
        %parallel_loop3A_174 = tpu.vector_load %arg9[%parallel_loop3A_172, %parallel_loop3A_173] {strides = array<i32>} : memref<128x128xf32, #tpu.memory_space<vmem>>, vector<16xf32>,
        tpu.vector_store %arg9[%parallel_loop3A_172, %parallel_loop3A_173], %parallel_loop3A_171 {strides = array<i32>} : memref<128x128xf32, #tpu.memory_space<vmem>>, vector<16xf32>,
        %parallel_loop3A_175 = arith.index_cast %parallel_loop3A_136 : i32 to index
        %parallel_loop3A_176 = arith.constant 80 : index
        %parallel_loop3A_177 = tpu.vector_load %arg9[%parallel_loop3A_175, %parallel_loop3A_176] {strides = array<i32>} : memref<128x128xf32, #tpu.memory_space<vmem>>, vector<16xf32>,
        %parallel_loop3A_178 = arith.mulf %parallel_loop3A_177, %parallel_loop3A_139 : vector<16xf32>
        %parallel_loop3A_179 = arith.index_cast %parallel_loop3A_136 : i32 to index
        %parallel_loop3A_180 = arith.constant 80 : index
        %parallel_loop3A_181 = tpu.vector_load %arg9[%parallel_loop3A_179, %parallel_loop3A_180] {strides = array<i32>} : memref<128x128xf32, #tpu.memory_space<vmem>>, vector<16xf32>,
        tpu.vector_store %arg9[%parallel_loop3A_179, %parallel_loop3A_180], %parallel_loop3A_178 {strides = array<i32>} : memref<128x128xf32, #tpu.memory_space<vmem>>, vector<16xf32>,
        %parallel_loop3A_182 = arith.index_cast %parallel_loop3A_136 : i32 to index
        %parallel_loop3A_183 = arith.constant 96 : index
        %parallel_loop3A_184 = tpu.vector_load %arg9[%parallel_loop3A_182, %parallel_loop3A_183] {strides = array<i32>} : memref<128x128xf32, #tpu.memory_space<vmem>>, vector<16xf32>,
        %parallel_loop3A_185 = arith.mulf %parallel_loop3A_184, %parallel_loop3A_139 : vector<16xf32>
        %parallel_loop3A_186 = arith.index_cast %parallel_loop3A_136 : i32 to index
        %parallel_loop3A_187 = arith.constant 96 : index
        %parallel_loop3A_188 = tpu.vector_load %arg9[%parallel_loop3A_186, %parallel_loop3A_187] {strides = array<i32>} : memref<128x128xf32, #tpu.memory_space<vmem>>, vector<16xf32>,
        tpu.vector_store %arg9[%parallel_loop3A_186, %parallel_loop3A_187], %parallel_loop3A_185 {strides = array<i32>} : memref<128x128xf32, #tpu.memory_space<vmem>>, vector<16xf32>,
        %parallel_loop3A_189 = arith.index_cast %parallel_loop3A_136 : i32 to index
        %parallel_loop3A_190 = arith.constant 112 : index
        %parallel_loop3A_191 = tpu.vector_load %arg9[%parallel_loop3A_189, %parallel_loop3A_190] {strides = array<i32>} : memref<128x128xf32, #tpu.memory_space<vmem>>, vector<16xf32>,
        %parallel_loop3A_192 = arith.mulf %parallel_loop3A_191, %parallel_loop3A_139 : vector<16xf32>
        %parallel_loop3A_193 = arith.index_cast %parallel_loop3A_136 : i32 to index
        %parallel_loop3A_194 = arith.constant 112 : index
        %parallel_loop3A_195 = tpu.vector_load %arg9[%parallel_loop3A_193, %parallel_loop3A_194] {strides = array<i32>} : memref<128x128xf32, #tpu.memory_space<vmem>>, vector<16xf32>,
        tpu.vector_store %arg9[%parallel_loop3A_193, %parallel_loop3A_194], %parallel_loop3A_192 {strides = array<i32>} : memref<128x128xf32, #tpu.memory_space<vmem>>, vector<16xf32>,
      } {sc.loop_unroll_factor = 4 : i64, sc.parallel_access}
      %run_scoped3A_134 = arith.constant 1 : i32
      "tpu.region"() ({
        %run_scoped3A_136 = tpu.sem_alloc : memref<!tpu.dma_semaphore, #tpu.memory_space<semaphore_mem>>
        %dma_start3A_137 = arith.constant 0 : i32
        %dma_start3A_138 = tpu.memref_slice %arg7[%run_scoped3A_134, %dma_start3A_137] : memref<3x128xi32, #tpu.memory_space<vmem>> -> memref<1x128xi32, #tpu.memory_space<vmem>>
        %dma_start3A_139 = tpu.memref_squeeze %dma_start3A_138 : memref<1x128xi32, #tpu.memory_space<vmem>> -> memref<128xi32, #tpu.memory_space<vmem>>
        %dma_start3A_140 = arith.constant 0 : i32
        %dma_start3A_141 = arith.constant 0 : i32
        %dma_start3A_142 = tpu.memref_slice %arg10[%dma_start3A_140, %dma_start3A_141] : memref<10240x128xf32, #tpu.memory_space<vmem_shared>> -> memref<10240x128xf32, #tpu.memory_space<vmem_shared>>
        tpu.enqueue_indirect_dma source(%arg9 : memref<128x128xf32, #tpu.memory_space<vmem>>) target(%dma_start3A_142 : memref<10240x128xf32, #tpu.memory_space<vmem_shared>>) offsets(%dma_start3A_139 : memref<128xi32, #tpu.memory_space<vmem>>) semaphore(%run_scoped3A_136 : memref<!tpu.dma_semaphore, #tpu.memory_space<semaphore_mem>>) {add = true}
        %dma_wait3A_143 = arith.constant 0 : i32
        %dma_wait3A_144 = tpu.memref_slice %arg7[%run_scoped3A_134, %dma_wait3A_143] : memref<3x128xi32, #tpu.memory_space<vmem>> -> memref<1x128xi32, #tpu.memory_space<vmem>>
        %dma_wait3A_145 = tpu.memref_squeeze %dma_wait3A_144 : memref<1x128xi32, #tpu.memory_space<vmem>> -> memref<128xi32, #tpu.memory_space<vmem>>
        %dma_wait3A_146 = arith.constant 0 : i32
        %dma_wait3A_147 = arith.constant 0 : i32
        %dma_wait3A_148 = tpu.memref_slice %arg10[%dma_wait3A_146, %dma_wait3A_147] : memref<10240x128xf32, #tpu.memory_space<vmem_shared>> -> memref<10240x128xf32, #tpu.memory_space<vmem_shared>>
        tpu.wait_indirect_dma semaphore(%run_scoped3A_136 : memref<!tpu.dma_semaphore, #tpu.memory_space<semaphore_mem>>) src(%arg9 : memref<128x128xf32, #tpu.memory_space<vmem>>) dst(%dma_wait3A_148 : memref<10240x128xf32, #tpu.memory_space<vmem_shared>>)
        tpu.yield
      }) : () -> ()
      %scan3A_135 = arith.constant 0 : i32
      scf.yield %scan3A_135 : i32
    }
    %scan3A_33 = arith.constant 40 : i32
    %dma_wait3A_34 = arith.constant 0 : i32
    %dma_wait3A_35 = arith.constant 0 : i32
    %dma_wait3A_36 = tpu.memref_slice %arg6[%dma_wait3A_34, %dma_wait3A_35] : memref<3x128xi32, #tpu.memory_space<vmem>> -> memref<1x128xi32, #tpu.memory_space<vmem>>
    %dma_wait3A_37 = tpu.memref_squeeze %dma_wait3A_36 : memref<1x128xi32, #tpu.memory_space<vmem>> -> memref<128xi32, #tpu.memory_space<vmem>>
    %dma_wait3A_38 = arith.constant 0 : i32
    %dma_wait3A_39 = arith.constant 0 : i32
    %dma_wait3A_40 = tpu.memref_slice %arg2[%dma_wait3A_38, %dma_wait3A_39] : memref<10240x128xf32, #tpu.memory_space<hbm>> -> memref<10240x128xf32, #tpu.memory_space<hbm>>
    tpu.wait_indirect_dma semaphore(%arg13 : memref<!tpu.dma_semaphore, #tpu.memory_space<semaphore_mem>>) src(%dma_wait3A_40 : memref<10240x128xf32, #tpu.memory_space<hbm>>) dst(%arg8 : memref<128x128xf32, #tpu.memory_space<vmem>>)
    %barrier3A_41 = arith.constant 0 : index
    tpu.barrier barrier_id(%barrier3A_41)
    %mul3A_42 = arith.constant 640 : i32
    %mul3A_43 = arith.muli %arg1, %mul3A_42 : i32
    %mul3A_44 = arith.constant 640 : i32
    %mul3A_45 = arith.muli %arg1, %mul3A_44 : i32
    %add3A_46 = arith.addi %mul3A_0, %mul3A_45 : i32
    "tpu.region"() ({
      %run_scoped3A = tpu.sem_alloc : memref<!tpu.dma_semaphore, #tpu.memory_space<semaphore_mem>>
      %dma_start3A_47 = arith.constant 0 : i32
      %dma_start3A_48 = tpu.memref_slice %arg5[%add3A_46, %dma_start3A_47] : memref<20480x128xf32, #tpu.memory_space<hbm>> -> memref<640x128xf32, #tpu.memory_space<hbm>>
      %dma_start3A_49 = arith.constant 0 : i32
      %dma_start3A_50 = tpu.memref_slice %arg10[%mul3A_43, %dma_start3A_49] : memref<10240x128xf32, #tpu.memory_space<vmem_shared>> -> memref<640x128xf32, #tpu.memory_space<vmem_shared>>
      tpu.enqueue_dma source(%dma_start3A_50 : memref<640x128xf32, #tpu.memory_space<vmem_shared>>) target(%dma_start3A_48 : memref<640x128xf32, #tpu.memory_space<hbm>>) target_semaphore(%run_scoped3A : memref<!tpu.dma_semaphore, #tpu.memory_space<semaphore_mem>>)
      %dma_wait3A_51 = arith.constant 0 : i32
      %dma_wait3A_52 = tpu.memref_slice %arg5[%add3A_46, %dma_wait3A_51] : memref<20480x128xf32, #tpu.memory_space<hbm>> -> memref<640x128xf32, #tpu.memory_space<hbm>>
      %dma_wait3A_53 = arith.constant 0 : i32
      %dma_wait3A_54 = tpu.memref_slice %arg10[%mul3A_43, %dma_wait3A_53] : memref<10240x128xf32, #tpu.memory_space<vmem_shared>> -> memref<640x128xf32, #tpu.memory_space<vmem_shared>>
      tpu.wait_dma2 semaphore(%run_scoped3A : memref<!tpu.dma_semaphore, #tpu.memory_space<semaphore_mem>>) src(%dma_wait3A_54 : memref<640x128xf32, #tpu.memory_space<vmem_shared>>) dst(%dma_wait3A_52 : memref<640x128xf32, #tpu.memory_space<hbm>>)
      tpu.yield
    }) : () -> ()
    return
  }
}

module attributes {stable_mosaic.version = 14 : i64} {
  func.func @_edge_mlp_body(%arg0: i32, %arg1: memref<3x2560xf32, #tpu.memory_space<vmem>>, %arg2: memref<256x3xf32, #tpu.memory_space<vmem>>, %arg3: memref<256x1xf32, #tpu.memory_space<vmem>>, %arg4: memref<1x256xf32, #tpu.memory_space<vmem>>, %arg5: memref<1x1xf32, #tpu.memory_space<vmem>>, %arg6: memref<1x1x2560xf32, #tpu.memory_space<vmem>>) attributes {dimension_semantics = [#tpu.dimension_semantics<arbitrary>], iteration_bounds = array<i64: 125>, scalar_prefetch = 0 : i64, scratch_operands = 0 : i64, tpu.core_type = #tpu.core_type<tc>, window_params = [{transform_indices = @transform_0, window_bounds = array<i64: 3, 2560>}, {pipeline_mode = #tpu.pipeline_mode<synchronous>, transform_indices = @transform_1, window_bounds = array<i64: 256, 3>}, {pipeline_mode = #tpu.pipeline_mode<synchronous>, transform_indices = @transform_2, window_bounds = array<i64: 256, 1>}, {pipeline_mode = #tpu.pipeline_mode<synchronous>, transform_indices = @transform_3, window_bounds = array<i64: 1, 256>}, {pipeline_mode = #tpu.pipeline_mode<synchronous>, transform_indices = @transform_4, window_bounds = array<i64: 1, 1>}, {transform_indices = @transform_5, window_bounds = array<i64: 1, 1, 2560>}]} {
    %get3A = arith.constant 0 : index
    %get3A_0 = arith.constant 0 : index
    %get3A_1 = vector.load %arg2[%get3A, %get3A_0] : memref<256x3xf32, #tpu.memory_space<vmem>>, vector<256x3xf32>
    %get3A_2 = arith.constant 0 : index
    %get3A_3 = arith.constant 0 : index
    %get3A_4 = vector.load %arg1[%get3A_2, %get3A_3] : memref<3x2560xf32, #tpu.memory_space<vmem>>, vector<3x2560xf32>
    %dot_general3A = arith.constant dense<0.000000e+00> : vector<256x2560xf32>
    %dot_general3A_5 = tpu.matmul %get3A_1, %get3A_4, %dot_general3A {dimension_numbers = #tpu.dot_dimension_numbers<[1], [0], [0], [1], [0, 0, 1, 1], [], []>, transpose_lhs_hint = false} : vector<256x3xf32>, vector<3x2560xf32>, vector<256x2560xf32> -> vector<256x2560xf32>
    %get3A_6 = arith.constant 0 : index
    %get3A_7 = arith.constant 0 : index
    %get3A_8 = vector.load %arg3[%get3A_6, %get3A_7] : memref<256x1xf32, #tpu.memory_space<vmem>>, vector<256x1xf32>
    %add3A = vector.broadcast %get3A_8 : vector<256x1xf32> to vector<256x2560xf32>
    %add3A_9 = arith.addf %dot_general3A_5, %add3A : vector<256x2560xf32>
    %max3A = arith.constant 0.000000e+00 : f32
    %max3A_10 = vector.broadcast %max3A : f32 to vector<256x2560xf32>
    %max3A_11 = arith.maximumf %add3A_9, %max3A_10 : vector<256x2560xf32>
    %get3A_12 = arith.constant 0 : index
    %get3A_13 = arith.constant 0 : index
    %get3A_14 = vector.load %arg4[%get3A_12, %get3A_13] : memref<1x256xf32, #tpu.memory_space<vmem>>, vector<1x256xf32>
    %dot_general3A_15 = arith.constant dense<0.000000e+00> : vector<1x2560xf32>
    %dot_general3A_16 = tpu.matmul %get3A_14, %max3A_11, %dot_general3A_15 {dimension_numbers = #tpu.dot_dimension_numbers<[1], [0], [0], [1], [0, 0, 1, 1], [], []>, transpose_lhs_hint = false} : vector<1x256xf32>, vector<256x2560xf32>, vector<1x2560xf32> -> vector<1x2560xf32>
    %get3A_17 = arith.constant 0 : index
    %get3A_18 = arith.constant 0 : index
    %get3A_19 = vector.load %arg5[%get3A_17, %get3A_18] : memref<1x1xf32, #tpu.memory_space<vmem>>, vector<1x1xf32>
    %add3A_20 = vector.broadcast %get3A_19 : vector<1x1xf32> to vector<1x2560xf32>
    %add3A_21 = arith.addf %dot_general3A_16, %add3A_20 : vector<1x2560xf32>
    %logistic3A = arith.negf %add3A_21 : vector<1x2560xf32>
    %logistic3A_22 = math.exp %logistic3A : vector<1x2560xf32>
    %logistic3A_23 = arith.constant 1.000000e+00 : f32
    %logistic3A_24 = vector.broadcast %logistic3A_23 : f32 to vector<1x2560xf32>
    %logistic3A_25 = arith.addf %logistic3A_24, %logistic3A_22 : vector<1x2560xf32>
    %logistic3A_26 = arith.divf %logistic3A_24, %logistic3A_25 : vector<1x2560xf32>
    %broadcast_in_dim3A = vector.shape_cast %logistic3A_26 : vector<1x2560xf32> to vector<1x1x2560xf32>
    %swap3A = arith.constant 0 : index
    %swap3A_27 = arith.constant 0 : index
    %swap3A_28 = arith.constant 0 : index
    %swap3A_29 = vector.load %arg6[%swap3A, %swap3A_27, %swap3A_28] : memref<1x1x2560xf32, #tpu.memory_space<vmem>>, vector<1x1x2560xf32>
    tpu.vector_store %arg6[%swap3A, %swap3A_27, %swap3A_28], %broadcast_in_dim3A {strides = array<i32>} : memref<1x1x2560xf32, #tpu.memory_space<vmem>>, vector<1x1x2560xf32>,
    return
  }
  func.func @transform_0(%arg0: i32) -> (i32, i32) {
    %c0_i32 = arith.constant 0 : i32
    %c0_i32_0 = arith.constant 0 : i32
    return %c0_i32, %arg0 : i32, i32
  }
  func.func @transform_1(%arg0: i32) -> (i32, i32) {
    %c0_i32 = arith.constant 0 : i32
    %c0_i32_0 = arith.constant 0 : i32
    %c0_i32_1 = arith.constant 0 : i32
    return %c0_i32, %c0_i32_0 : i32, i32
  }
  func.func @transform_2(%arg0: i32) -> (i32, i32) {
    %c0_i32 = arith.constant 0 : i32
    %c0_i32_0 = arith.constant 0 : i32
    %c0_i32_1 = arith.constant 0 : i32
    return %c0_i32, %c0_i32_0 : i32, i32
  }
  func.func @transform_3(%arg0: i32) -> (i32, i32) {
    %c0_i32 = arith.constant 0 : i32
    %c0_i32_0 = arith.constant 0 : i32
    %c0_i32_1 = arith.constant 0 : i32
    return %c0_i32, %c0_i32_0 : i32, i32
  }
  func.func @transform_4(%arg0: i32) -> (i32, i32) {
    %c0_i32 = arith.constant 0 : i32
    %c0_i32_0 = arith.constant 0 : i32
    %c0_i32_1 = arith.constant 0 : i32
    return %c0_i32, %c0_i32_0 : i32, i32
  }
  func.func @transform_5(%arg0: i32) -> (i32, i32, i32) {
    %c0_i32 = arith.constant 0 : i32
    %c0_i32_0 = arith.constant 0 : i32
    %c0_i32_1 = arith.constant 0 : i32
    return %arg0, %c0_i32, %c0_i32_0 : i32, i32, i32
  }
}

module attributes {stable_mosaic.version = 14 : i64} {
  func.func @_node_body(%arg0: i32, %arg1: memref<2000x128xf32, #tpu.memory_space<vmem>>, %arg2: memref<2000x128xf32, #tpu.memory_space<vmem>>, %arg3: memref<2000x128xf32, #tpu.memory_space<vmem>>, %arg4: memref<2000x1xf32, #tpu.memory_space<vmem>>, %arg5: memref<128x256xf32, #tpu.memory_space<vmem>>, %arg6: memref<128x256xf32, #tpu.memory_space<vmem>>, %arg7: memref<1x256xf32, #tpu.memory_space<vmem>>, %arg8: memref<1x256xf32, #tpu.memory_space<vmem>>, %arg9: memref<256x128xf32, #tpu.memory_space<vmem>>, %arg10: memref<1x128xf32, #tpu.memory_space<vmem>>, %arg11: memref<1x128xf32, #tpu.memory_space<vmem>>, %arg12: memref<1x128xf32, #tpu.memory_space<vmem>>, %arg13: memref<2000x128xf32, #tpu.memory_space<vmem>>) attributes {dimension_semantics = [#tpu.dimension_semantics<arbitrary>], iteration_bounds = array<i64: 5>, scalar_prefetch = 0 : i64, scratch_operands = 0 : i64, tpu.core_type = #tpu.core_type<tc>, window_params = [{transform_indices = @transform_0, window_bounds = array<i64: 2000, 128>}, {transform_indices = @transform_1, window_bounds = array<i64: 2000, 128>}, {transform_indices = @transform_2, window_bounds = array<i64: 2000, 128>}, {transform_indices = @transform_3, window_bounds = array<i64: 2000, 1>}, {pipeline_mode = #tpu.pipeline_mode<synchronous>, transform_indices = @transform_4, window_bounds = array<i64: 128, 256>}, {pipeline_mode = #tpu.pipeline_mode<synchronous>, transform_indices = @transform_5, window_bounds = array<i64: 128, 256>}, {pipeline_mode = #tpu.pipeline_mode<synchronous>, transform_indices = @transform_6, window_bounds = array<i64: 1, 256>}, {pipeline_mode = #tpu.pipeline_mode<synchronous>, transform_indices = @transform_7, window_bounds = array<i64: 1, 256>}, {pipeline_mode = #tpu.pipeline_mode<synchronous>, transform_indices = @transform_8, window_bounds = array<i64: 256, 128>}, {pipeline_mode = #tpu.pipeline_mode<synchronous>, transform_indices = @transform_9, window_bounds = array<i64: 1, 128>}, {pipeline_mode = #tpu.pipeline_mode<synchronous>, transform_indices = @transform_10, window_bounds = array<i64: 1, 128>}, {pipeline_mode = #tpu.pipeline_mode<synchronous>, transform_indices = @transform_11, window_bounds = array<i64: 1, 128>}, {transform_indices = @transform_12, window_bounds = array<i64: 2000, 128>}]} {
    %get3A = arith.constant 0 : index
    %get3A_0 = arith.constant 0 : index
    %get3A_1 = vector.load %arg1[%get3A, %get3A_0] : memref<2000x128xf32, #tpu.memory_space<vmem>>, vector<2000x128xf32>
    %get3A_2 = arith.constant 0 : index
    %get3A_3 = arith.constant 0 : index
    %get3A_4 = vector.load %arg4[%get3A_2, %get3A_3] : memref<2000x1xf32, #tpu.memory_space<vmem>>, vector<2000x1xf32>
    %max3A = arith.constant 1.000000e+00 : f32
    %max3A_5 = vector.broadcast %max3A : f32 to vector<2000x1xf32>
    %max3A_6 = arith.maximumf %get3A_4, %max3A_5 : vector<2000x1xf32>
    %div3A = arith.constant 1.000000e+00 : f32
    %div3A_7 = vector.broadcast %div3A : f32 to vector<2000x1xf32>
    %div3A_8 = arith.divf %div3A_7, %max3A_6 : vector<2000x1xf32>
    %get3A_9 = arith.constant 0 : index
    %get3A_10 = arith.constant 0 : index
    %get3A_11 = vector.load %arg2[%get3A_9, %get3A_10] : memref<2000x128xf32, #tpu.memory_space<vmem>>, vector<2000x128xf32>
    %get3A_12 = arith.constant 0 : index
    %get3A_13 = arith.constant 0 : index
    %get3A_14 = vector.load %arg3[%get3A_12, %get3A_13] : memref<2000x128xf32, #tpu.memory_space<vmem>>, vector<2000x128xf32>
    %add3A = arith.addf %get3A_11, %get3A_14 : vector<2000x128xf32>
    %mul3A = vector.broadcast %div3A_8 : vector<2000x1xf32> to vector<2000x128xf32>
    %mul3A_15 = arith.mulf %add3A, %mul3A : vector<2000x128xf32>
    %get3A_16 = arith.constant 0 : index
    %get3A_17 = arith.constant 0 : index
    %get3A_18 = vector.load %arg5[%get3A_16, %get3A_17] : memref<128x256xf32, #tpu.memory_space<vmem>>, vector<128x256xf32>
    %dot_general3A = arith.constant dense<0.000000e+00> : vector<2000x256xf32>
    %dot_general3A_19 = tpu.matmul %get3A_1, %get3A_18, %dot_general3A {dimension_numbers = #tpu.dot_dimension_numbers<[1], [0], [0], [1], [0, 0, 1, 1], [], []>, transpose_lhs_hint = false} : vector<2000x128xf32>, vector<128x256xf32>, vector<2000x256xf32> -> vector<2000x256xf32>
    %get3A_20 = arith.constant 0 : index
    %get3A_21 = arith.constant 0 : index
    %get3A_22 = vector.load %arg6[%get3A_20, %get3A_21] : memref<128x256xf32, #tpu.memory_space<vmem>>, vector<128x256xf32>
    %dot_general3A_23 = arith.constant dense<0.000000e+00> : vector<2000x256xf32>
    %dot_general3A_24 = tpu.matmul %mul3A_15, %get3A_22, %dot_general3A_23 {dimension_numbers = #tpu.dot_dimension_numbers<[1], [0], [0], [1], [0, 0, 1, 1], [], []>, transpose_lhs_hint = false} : vector<2000x128xf32>, vector<128x256xf32>, vector<2000x256xf32> -> vector<2000x256xf32>
    %add3A_25 = arith.addf %dot_general3A_19, %dot_general3A_24 : vector<2000x256xf32>
    %get3A_26 = arith.constant 0 : index
    %get3A_27 = arith.constant 0 : index
    %get3A_28 = vector.load %arg7[%get3A_26, %get3A_27] : memref<1x256xf32, #tpu.memory_space<vmem>>, vector<1x256xf32>
    %mul3A_29 = vector.broadcast %get3A_4 : vector<2000x1xf32> to vector<2000x256xf32>
    %mul3A_30 = vector.broadcast %get3A_28 : vector<1x256xf32> to vector<2000x256xf32>
    %mul3A_31 = arith.mulf %mul3A_29, %mul3A_30 : vector<2000x256xf32>
    %add3A_32 = arith.addf %add3A_25, %mul3A_31 : vector<2000x256xf32>
    %get3A_33 = arith.constant 0 : index
    %get3A_34 = arith.constant 0 : index
    %get3A_35 = vector.load %arg8[%get3A_33, %get3A_34] : memref<1x256xf32, #tpu.memory_space<vmem>>, vector<1x256xf32>
    %add3A_36 = vector.broadcast %get3A_35 : vector<1x256xf32> to vector<2000x256xf32>
    %add3A_37 = arith.addf %add3A_32, %add3A_36 : vector<2000x256xf32>
    %max3A_38 = arith.constant 0.000000e+00 : f32
    %max3A_39 = vector.broadcast %max3A_38 : f32 to vector<2000x256xf32>
    %max3A_40 = arith.maximumf %add3A_37, %max3A_39 : vector<2000x256xf32>
    %get3A_41 = arith.constant 0 : index
    %get3A_42 = arith.constant 0 : index
    %get3A_43 = vector.load %arg9[%get3A_41, %get3A_42] : memref<256x128xf32, #tpu.memory_space<vmem>>, vector<256x128xf32>
    %dot_general3A_44 = arith.constant dense<0.000000e+00> : vector<2000x128xf32>
    %dot_general3A_45 = tpu.matmul %max3A_40, %get3A_43, %dot_general3A_44 {dimension_numbers = #tpu.dot_dimension_numbers<[1], [0], [0], [1], [0, 0, 1, 1], [], []>, transpose_lhs_hint = false} : vector<2000x256xf32>, vector<256x128xf32>, vector<2000x128xf32> -> vector<2000x128xf32>
    %add3A_46 = arith.addf %get3A_1, %dot_general3A_45 : vector<2000x128xf32>
    %get3A_47 = arith.constant 0 : index
    %get3A_48 = arith.constant 0 : index
    %get3A_49 = vector.load %arg10[%get3A_47, %get3A_48] : memref<1x128xf32, #tpu.memory_space<vmem>>, vector<1x128xf32>
    %add3A_50 = vector.broadcast %get3A_49 : vector<1x128xf32> to vector<2000x128xf32>
    %add3A_51 = arith.addf %add3A_46, %add3A_50 : vector<2000x128xf32>
    %reduce_sum3A = arith.constant dense<0.000000e+00> : vector<2000xf32>
    %reduce_sum3A_52 = vector.multi_reduction <add>, %add3A_51, %reduce_sum3A [1] : vector<2000x128xf32> to vector<2000xf32>
    %broadcast_in_dim3A = vector.shape_cast %reduce_sum3A_52 : vector<2000xf32> to vector<2000x1xf32>
    %div3A_53 = arith.constant 1.280000e+02 : f32
    %div3A_54 = vector.broadcast %div3A_53 : f32 to vector<2000x1xf32>
    %div3A_55 = arith.divf %broadcast_in_dim3A, %div3A_54 : vector<2000x1xf32>
    %sub3A = vector.broadcast %div3A_55 : vector<2000x1xf32> to vector<2000x128xf32>
    %sub3A_56 = arith.subf %add3A_51, %sub3A : vector<2000x128xf32>
    %mul3A_57 = arith.mulf %sub3A_56, %sub3A_56 : vector<2000x128xf32>
    %reduce_sum3A_58 = arith.constant dense<0.000000e+00> : vector<2000xf32>
    %reduce_sum3A_59 = vector.multi_reduction <add>, %mul3A_57, %reduce_sum3A_58 [1] : vector<2000x128xf32> to vector<2000xf32>
    %broadcast_in_dim3A_60 = vector.shape_cast %reduce_sum3A_59 : vector<2000xf32> to vector<2000x1xf32>
    %div3A_61 = arith.constant 1.280000e+02 : f32
    %div3A_62 = vector.broadcast %div3A_61 : f32 to vector<2000x1xf32>
    %div3A_63 = arith.divf %broadcast_in_dim3A_60, %div3A_62 : vector<2000x1xf32>
    %add3A_64 = arith.constant 9.99999974E-6 : f32
    %add3A_65 = vector.broadcast %add3A_64 : f32 to vector<2000x1xf32>
    %add3A_66 = arith.addf %div3A_63, %add3A_65 : vector<2000x1xf32>
    %rsqrt3A = math.rsqrt %add3A_66 : vector<2000x1xf32>
    %mul3A_67 = vector.broadcast %rsqrt3A : vector<2000x1xf32> to vector<2000x128xf32>
    %mul3A_68 = arith.mulf %sub3A_56, %mul3A_67 : vector<2000x128xf32>
    %get3A_69 = arith.constant 0 : index
    %get3A_70 = arith.constant 0 : index
    %get3A_71 = vector.load %arg11[%get3A_69, %get3A_70] : memref<1x128xf32, #tpu.memory_space<vmem>>, vector<1x128xf32>
    %mul3A_72 = vector.broadcast %get3A_71 : vector<1x128xf32> to vector<2000x128xf32>
    %mul3A_73 = arith.mulf %mul3A_68, %mul3A_72 : vector<2000x128xf32>
    %get3A_74 = arith.constant 0 : index
    %get3A_75 = arith.constant 0 : index
    %get3A_76 = vector.load %arg12[%get3A_74, %get3A_75] : memref<1x128xf32, #tpu.memory_space<vmem>>, vector<1x128xf32>
    %add3A_77 = vector.broadcast %get3A_76 : vector<1x128xf32> to vector<2000x128xf32>
    %add3A_78 = arith.addf %mul3A_73, %add3A_77 : vector<2000x128xf32>
    %swap3A = arith.constant 0 : index
    %swap3A_79 = arith.constant 0 : index
    %swap3A_80 = vector.load %arg13[%swap3A, %swap3A_79] : memref<2000x128xf32, #tpu.memory_space<vmem>>, vector<2000x128xf32>
    tpu.vector_store %arg13[%swap3A, %swap3A_79], %add3A_78 {strides = array<i32>} : memref<2000x128xf32, #tpu.memory_space<vmem>>, vector<2000x128xf32>,
    return
  }
  func.func @transform_0(%arg0: i32) -> (i32, i32) {
    %c0_i32 = arith.constant 0 : i32
    %c0_i32_0 = arith.constant 0 : i32
    return %arg0, %c0_i32 : i32, i32
  }
  func.func @transform_1(%arg0: i32) -> (i32, i32) {
    %c0_i32 = arith.constant 0 : i32
    %c0_i32_0 = arith.constant 0 : i32
    return %arg0, %c0_i32 : i32, i32
  }
  func.func @transform_2(%arg0: i32) -> (i32, i32) {
    %c0_i32 = arith.constant 0 : i32
    %c0_i32_0 = arith.constant 0 : i32
    return %arg0, %c0_i32 : i32, i32
  }
  func.func @transform_3(%arg0: i32) -> (i32, i32) {
    %c0_i32 = arith.constant 0 : i32
    %c0_i32_0 = arith.constant 0 : i32
    return %arg0, %c0_i32 : i32, i32
  }
  func.func @transform_4(%arg0: i32) -> (i32, i32) {
    %c0_i32 = arith.constant 0 : i32
    %c0_i32_0 = arith.constant 0 : i32
    %c0_i32_1 = arith.constant 0 : i32
    return %c0_i32, %c0_i32_0 : i32, i32
  }
  func.func @transform_5(%arg0: i32) -> (i32, i32) {
    %c0_i32 = arith.constant 0 : i32
    %c0_i32_0 = arith.constant 0 : i32
    %c0_i32_1 = arith.constant 0 : i32
    return %c0_i32, %c0_i32_0 : i32, i32
  }
  func.func @transform_6(%arg0: i32) -> (i32, i32) {
    %c0_i32 = arith.constant 0 : i32
    %c0_i32_0 = arith.constant 0 : i32
    %c0_i32_1 = arith.constant 0 : i32
    return %c0_i32, %c0_i32_0 : i32, i32
  }
  func.func @transform_7(%arg0: i32) -> (i32, i32) {
    %c0_i32 = arith.constant 0 : i32
    %c0_i32_0 = arith.constant 0 : i32
    %c0_i32_1 = arith.constant 0 : i32
    return %c0_i32, %c0_i32_0 : i32, i32
  }
  func.func @transform_8(%arg0: i32) -> (i32, i32) {
    %c0_i32 = arith.constant 0 : i32
    %c0_i32_0 = arith.constant 0 : i32
    %c0_i32_1 = arith.constant 0 : i32
    return %c0_i32, %c0_i32_0 : i32, i32
  }
  func.func @transform_9(%arg0: i32) -> (i32, i32) {
    %c0_i32 = arith.constant 0 : i32
    %c0_i32_0 = arith.constant 0 : i32
    %c0_i32_1 = arith.constant 0 : i32
    return %c0_i32, %c0_i32_0 : i32, i32
  }
  func.func @transform_10(%arg0: i32) -> (i32, i32) {
    %c0_i32 = arith.constant 0 : i32
    %c0_i32_0 = arith.constant 0 : i32
    %c0_i32_1 = arith.constant 0 : i32
    return %c0_i32, %c0_i32_0 : i32, i32
  }
  func.func @transform_11(%arg0: i32) -> (i32, i32) {
    %c0_i32 = arith.constant 0 : i32
    %c0_i32_0 = arith.constant 0 : i32
    %c0_i32_1 = arith.constant 0 : i32
    return %c0_i32, %c0_i32_0 : i32, i32
  }
  func.func @transform_12(%arg0: i32) -> (i32, i32) {
    %c0_i32 = arith.constant 0 : i32
    %c0_i32_0 = arith.constant 0 : i32
    return %arg0, %c0_i32 : i32, i32
  }
}

</mosaic_0001>

<sc_bundles>
// kernel: kernel.5.cloned.1.call-start
scs
__scs_entry_jumppad:
0x0: {  	(pc) =	sbr.rel $0x88, $3  }
0x1: {  	(tag) =	ssettag $0x0;
	lr =	simm.s32 $0x1  }
0x2: {  	[smem:$0x3F93] =	sst lr;
	_ =	strace $0xD0000000  }
0x3: {  	_ = 	snop  }
0x4: {  	_ = 	snop  }
0x5: {  	_ = 	snop  }
0x6: {  	_ = 	snop  }
0x7: {  	_ = 	snop  }
__scs_overlays_trampoline_lowered:
0x8: {  	[smem:$0x3FA2] =	sst s0  }
0x9: {  	[smem:$0x3FA3] =	sst s1  }
0xa: {  	[smem:$0x3FA4] =	sst s2  }
0xb: {  	[smem:$0x3FA5] =	sst s3  }
0xc: {  	[smem:$0x3FA6] =	sst s4  }
0xd: {  	[smem:$0x3FA7] =	sst s5  }
0xe: {  	[smem:$0x3FA8] =	sst s6  }
0xf: {  	[smem:$0x3FA9] =	sst s7  }
0x10: {  	[smem:$0x3FAA] =	sst s8  }
0x11: {  	[smem:$0x3FAB] =	sst s9;
	s0 =	simm.s32 @!p0 $0x0  }
0x12: {  	s1 =	sld [smem:$0x3F91];
	s0 =	simm.s32 @p0 $0x1  }
0x13: {  	[smem:$0x3FAC] =	sst s0;
	s0 =	simm.s32 @!p1 $0x0  }
0x14: {  	s2 =	sld [smem:$0x3F90];
	s0 =	simm.s32 @p1 $0x1  }
0x15: {  	[smem:$0x3FAD] =	sst s0;
	s0 =	simm.s32 @!p2 $0x0  }
0x16: {  	s3 =	sld [smem:$0x3FDB];
	s0 =	simm.s32 @p2 $0x1  }
0x17: {  	s4 =	simm.s32 $0x1BF5;
	[smem:$0x3FAF] =	sst s0  }
0x18: {  	s0 =	sld [smem:$0x3F92];
	_ =	swait.ge [sflag:s4], $0x0  }
0x19: {  	s7 =	sld [smem:$0x3F93]  }
0x1a: {  	s8 =	sadd.s32 $0xFFFFE003, lr  }
0x1b: {  	s9 =	sadd.s32 $0xFFFFFEF7, lr;
	s5 =	simm.s32 $0xFFFFFFFF;
	p2 =	slt.u32 s8, $0xFFFFF086  }
0x1c: {  	p1 =	slt.u32 s9, $0xF7A;
	s5 =	simm.s32 @!p2 $0x0  }
0x1d: {  	s5 =	simm.s32 @p1 $0x1;
	p0 =	seq.s32 s7, s2  }
0x1e: {  	s7 =	smul.u32 @!p0 $0xF7A, s2;
	p2 =	seq.s32 @!p0 s5, $0x0  }
0x1f: {  	s9 =	smul.u32 $0xF7A, s1;
	s8 =	simm.s32 @!p0 $0x1BF5;
	p2 =	por !p2, p0  }
0x20: {  	[sflag:s8] =	ssyncset.s32 @!p0 $0xFFFFF086;
	s6 =	sadd.s32 @!p0 s3, s7;
	s7 =	simm.s32 @!p0 $0x108  }
0x21: {  	s3 =	sadd.s32 s3, s9;
	s6 =	sadd.s32 @!p0 $0x88, s6;
	s7 =	simm.s32 @p2 $0x1082  }
0x22: {  	[simem:s7], [sflag:s8] =	dma.local @!p0 [hbm:s6], $0xF7A  }
0x23: {  	s9 =	sor.u32 $0xD0000000, s2;
	s6 =	simm.s32 $0x108;
	_ =	swait.ge @!p0 [sflag:s8], $0x0  }
0x24: {  	s3 =	sadd.s32 $0x88, s3;
	s6 =	simm.s32 @!p1 $0x1082;
	[sflag:s4] =	ssyncset.s32 $0xFFFFF086  }
0x25: {  	[simem:s6], [sflag:s4] =	dma.local [hbm:s3], $0xF7A  }
0x26: {  	[smem:$0x3F93] =	sst s1;
	(tag) =	ssettag s2;
	_ =	strace s9  }
0x27: {  	s1 =	sld [smem:$0x3FA3]  }
0x28: {  	s2 =	sld [smem:$0x3FA4]  }
0x29: {  	s4 =	sld [smem:$0x3FA6]  }
0x2a: {  	p0 =	seq.s32 s5, $0x0;
	s5 =	sld [smem:$0x3FA7]  }
0x2b: {  	s6 =	sld [smem:$0x3FA8]  }
0x2c: {  	s7 =	sld [smem:$0x3FA9]  }
0x2d: {  	s3 =	simm.s32 $0x108;
	s8 =	sld [smem:$0x3FAA]  }
0x2e: {  	s3 =	simm.s32 @!p0 $0x1082;
	s9 =	sld [smem:$0x3FAB]  }
0x2f: {  	lr =	sadd.s32 s0, s3;
	s0 =	sld [smem:$0x3FA2]  }
0x30: {  	s3 =	sld [smem:$0x3FA5]  }
0x31: {  	[smem:$0x3FAE] =	sst s10  }
0x32: {  	s10 =	sld [smem:$0x3FAC];
	_ =	sdelay $0x3  }
0x33: {  	p0 =	seq.s32 s10, $0x1;
	s10 =	sld [smem:$0x3FAE];
	_ =	sdelay $0x3  }
0x34: {  	[smem:$0x3FAE] =	sst s10  }
0x35: {  	s10 =	sld [smem:$0x3FAD];
	_ =	sdelay $0x3  }
0x36: {  	p1 =	seq.s32 s10, $0x1;
	s10 =	sld [smem:$0x3FAE];
	_ =	sdelay $0x3  }
0x37: {  	[smem:$0x3FAE] =	sst s10  }
0x38: {  	s10 =	sld [smem:$0x3FAF]  }
0x39: {  	_ = 	snop;
	(pc) =	sbr.ind lr, $3  }
0x3a: {  	_ = 	snop  }
0x3b: {  	_ = 	snop  }
0x3c: {  	p2 =	seq.s32 s10, $0x1;
	s10 =	sld [smem:$0x3FAE]  }
0x3d: {  	_ =	shalt  }
0x3e: {  	_ =	shalt  }
0x3f: {  	_ =	shalt  }
0x40: {  	_ =	shalt  }
0x41: {  	_ =	shalt  }
0x42: {  	_ =	shalt  }
0x43: {  	_ =	shalt  }
0x44: {  	_ =	shalt  }
0x45: {  	_ =	shalt  }
0x46: {  	_ =	shalt  }
0x47: {  	_ =	shalt  }
0x48: {  	_ =	shalt  }
0x49: {  	_ =	shalt  }
0x4a: {  	_ =	shalt  }
0x4b: {  	_ =	shalt  }
0x4c: {  	_ =	shalt  }
0x4d: {  	_ =	shalt  }
0x4e: {  	_ =	shalt  }
0x4f: {  	_ =	shalt  }
0x50: {  	_ =	shalt  }
0x51: {  	_ =	shalt  }
0x52: {  	_ =	shalt  }
0x53: {  	_ =	shalt  }
0x54: {  	_ =	shalt  }
0x55: {  	_ =	shalt  }
0x56: {  	_ =	shalt  }
0x57: {  	_ =	shalt  }
0x58: {  	_ =	shalt  }
0x59: {  	_ =	shalt  }
0x5a: {  	_ =	shalt  }
0x5b: {  	_ =	shalt  }
0x5c: {  	_ =	shalt  }
0x5d: {  	_ =	shalt  }
0x5e: {  	_ =	shalt  }
0x5f: {  	_ =	shalt  }
0x60: {  	_ =	shalt  }
0x61: {  	_ =	shalt  }
0x62: {  	_ =	shalt  }
0x63: {  	_ =	shalt  }
0x64: {  	_ =	shalt  }
0x65: {  	_ =	shalt  }
0x66: {  	_ =	shalt  }
0x67: {  	_ =	shalt  }
0x68: {  	_ =	shalt  }
0x69: {  	_ =	shalt  }
0x6a: {  	_ =	shalt  }
0x6b: {  	_ =	shalt  }
0x6c: {  	_ =	shalt  }
0x6d: {  	_ =	shalt  }
0x6e: {  	_ =	shalt  }
0x6f: {  	_ =	shalt  }
0x70: {  	_ =	shalt  }
0x71: {  	_ =	shalt  }
0x72: {  	_ =	shalt  }
0x73: {  	_ =	shalt  }
0x74: {  	_ =	shalt  }
0x75: {  	_ =	shalt  }
0x76: {  	_ =	shalt  }
0x77: {  	_ =	shalt  }
0x78: {  	_ =	shalt  }
0x79: {  	_ =	shalt  }
0x7a: {  	_ =	shalt  }
0x7b: {  	_ =	shalt  }
0x7c: {  	_ =	shalt  }
0x7d: {  	_ =	shalt  }
0x7e: {  	_ =	shalt  }
0x7f: {  	_ =	shalt  }
0x80: {  	_ =	shalt  }
0x81: {  	_ =	shalt  }
0x82: {  	_ =	shalt  }
0x83: {  	_ =	shalt  }
0x84: {  	_ =	shalt  }
0x85: {  	_ =	shalt  }
0x86: {  	_ =	shalt  }
0x87: {  	_ =	shalt  }
.Lfunc_end0:
.L_simem_size_0:
called_computation_lowered:
.L_overlay_start_0:
0x88: {  	s2 =	sld [smem:$0x3FD9]  }
0x89: {  	s3 =	sld [smem:$0x3FFE];
	_ =	sdelay $0x1  }
0x8a: {  	s1 =	srdreg.scid  }
0x8b: {  	s0 =	sand.u32 $0x1, s1  }
0x8c: {  	s17 =	sshll.u32 s0, $0xA;
	s2 =	sadd.s32 s3, s2  }
0x8d: {  	s2 =	sadd.s32 s2, s17  }
0x8e: {  	[smem:$0x3FBA] =	sst s2  }
0x8f: {  	_ = 	snop  }
0x90: {  	s2 =	sld [smem:$0x3FD0];
	(tm) =	ssettm $0x1  }
0x91: {  	s18 =	sld [smem:$0x3FFB];
	_ =	sdelay $0x3  }
0x92: {  	_ =	strace s18  }
0x93: {  	s3 =	sld [smem:$0x3FFC];
	_ =	sdelay $0x3  }
0x94: {  	_ =	strace s3  }
0x95: {  	s3 =	sld [smem:$0x3FFD];
	_ =	sdelay $0x3  }
0x96: {  	_ =	strace s3  }
0x97: {  	_ =	strace $0x8FFFFFFF  }
0x98: {  	s19 =	sld [smem:$0x3FDB];
	_ =	sdelay $0x1  }
0x99: {  	s4 =	simm.s32 $_scs_section_size  }
0x9a: {  	s5 =	simm.s32 $_size__tile_overlayer_lowered;
	s6 =	simm.s32 $_tile_overlayer_lowered  }
0x9b: {  	s22 =	simm.s32 $0x1BFF;
	s21 =	sshll.u32 s6, $0x1;
	s3 =	sadd.s32 s4, s19  }
0x9c: {  	s7 =	simm.s32 $0x0;
	s20 =	sshll.u32 s5, $0x1;
	s5 =	sadd.s32 s21, s3  }
0x9d: {  	[timem:s7], [sflag:s22] =	dma.local [hbm:s5], s20  }
0x9e: {  	_ =	swait.ge [sflag:s22], s20  }
0x9f: {  	s4 =	ssub.s32 $0x0, s20;
	[sflag:s22] =	ssyncset.done $0x0  }
0xa0: {  	[sflag:s22] =	ssyncadd.s32 s4;
	_ =	sdelay $0x1  }
0xa1: {  	s23 =	simm.s32 $0x1B8B  }
0xa2: {  	_ =	swait.ge [sflag:s23], $0x1  }
0xa3: {  	[sflag:s23] =	ssyncset.done $0x0  }
0xa4: {  	s25 =	simm.s32 $0x1B8E;
	s24 =	sld [smem:$0x3FFE];
	[sflag:s23] =	ssyncadd.s32 $0xFFFFFFFF  }
0xa5: {  	s26 =	simm.s32 $execute0_lowered;
	[smem:$0x3FD2] =	sst s25  }
0xa6: {  	s5 =	sshll.u32 s26, $0x1;
	_ =	strace $0x80000046;
	[dreg:$0x1] =	wrdreg $0xFFFFFFFF  }
0xa7: {  	s28 =	simm.s32 $_size_execute0_lowered;
	s3 =	sadd.s32 s3, s5;
	[dreg:$0x0] =	wrdreg $0x0  }
0xa8: {  	s5 =	sshll.u32 s28, $0x1;
	[dreg:$0x2] =	wrdreg s3  }
0xa9: {  	[dreg:$0x3] =	wrdreg s5  }
0xaa: {  	[dreg:$0x4] =	wrdreg $0xC0  }
0xab: {  	_ =	task [dreg:s7], $0x5FFFF  }
0xac: {  	[dreg:$0x1] =	wrdreg $0xFFFFFFFF  }
0xad: {  	[dreg:$0x0] =	wrdreg $0x60  }
0xae: {  	[dreg:$0x2] =	wrdreg s24  }
0xaf: {  	[dreg:$0x3] =	wrdreg s2  }
0xb0: {  	[dreg:$0x4] =	wrdreg $0x84000  }
0xb1: {  	[dreg:$0x5] =	wrdreg $0x9  }
0xb2: {  	_ =	task.clear_ibuf [dreg:s7], $0x6FFFF;
	_ =	strace $0x90000046  }
0xb3: {  	s29 =	simm.s32 $0x9;
	_ =	strace $0x80000048  }
0xb4: {  	_ =	swait.ge [sflag:s29], $0x1  }
0xb5: {  	[sflag:s29] =	ssyncadd.s32 $0xFFFFFFFF  }
0xb6: {  	_ =	strace $0x90000048  }
0xb7: {  	_ =	sfence  }
0xb8: {  	s30 =	sld [smem:$0x0];
	_ =	sdelay $0x2  }
0xb9: {  	s31 =	sshll.u32 s1, $0xD;
	s1 =	sshrl.u32 s1, $0x2  }
0xba: {  	s3 =	sand.u32 $0x4000, s31;
	s1 =	sadd.s32 s1, s30  }
0xbb: {  	s0 =	sor.u32 s3, s0;
	s1 =	sshll.u32 s1, $0x11  }
0xbc: {  	s0 =	sor.u32 s1, s0  }
0xbd: {  	s0 =	sadd.s32 $0x8F2B, s0  }
0xbe: {  	[sflag:s0] =	ssyncadd.remote.s32 $0x1  }
0xbf: {  	_ =	sfence.sel $0xFFFF  }
0xc0: {  	[dreg:$0x0] =	wrdreg $0xFFFFFFFF;
	(pc) =	sbr.abs _section_cstart, $3  }
0xc1: {  	[dreg:$0x1] =	wrdreg $0xFFFFFFFF  }
0xc2: {  	_ =	task.clear_ibuf [dreg:s7], $0x2FFFF;
	_ =	strace $0x9FFFFFFF  }
0xc3: {  	(tm) =	ssettm $0x7FFFFFFF  }
tec
execute0_lowered:
.L_overlay_start_1:
0x0: {  	(tag) =	ssettag $0x1  }
0x1: {  	s7 =	rddreg [dreg:$0x0]  }
0x2: {  	s1 =	rddreg [dreg:$0x1]  }
0x3: {  	s2 =	rddreg [dreg:$0x2]  }
0x4: {  	s0 =	rddreg [dreg:$0x3];
	s4 =	simm.s32 $0x0;
	s3 =	srdreg.scid  }
0x5: {  	s16 =	simm.s32 $0x80;
	s17 =	simm.s32 $0x400;
	s18 =	simm.s32 $0x200  }
0x6: {  	s19 =	simm.s32 $0x2;
	s20 =	simm.s32 $0x4400;
	s21 =	simm.s32 $0x3  }
0x7: {  	s22 =	simm.s32 $0x4;
	s23 =	simm.s32 $0x280;
	s24 =	simm.s32 $0x0  }
0x8: {  	[smem:$0x7FF] =	sst s4;
	s8 =	sand.u32 $0x1, s3;
	s3 =	stileid.u32  }
0x9: {  	s5 =	sadd.s32 $0x1800, s7;
	s6 =	sadd.s32 $0x29800, s7;
	s9 =	smul.u32 $0x28000, s8  }
0xa: {  	_ =	strace $0x80000047;
	s10 =	smul.u32 $0x2800, s3;
	s11 =	sshll.u32 s8, $0x4  }
0xb: {  	s28 =	smul.u32 $0x50000, s3;
	s29 =	ssub.s32 $0x2, s8;
	s26 =	sor.u32 s3, s11  }
0xc: {  	s31 =	sshll.u32 s3, $0x6;
	s8 =	sshrl.u32 s29, $0x1;
	s13 =	smul.u32 $0x50, s26  }
0xd: {  	s9 =	sadd.s32 s10, s9;
	s30 =	sshrl.u32 s28, $0x2;
	s10 =	smul.u32 $0x1400, s26  }
0xe: {  	s14 =	ssub.s32 s29, s8;
	s12 =	sadd.s32 s9, s7;
	s15 =	sadd.s32 s30, s2  }
0xf: {  	s7 =	sor.u32 $0x1C05, s31;
	s8 =	sadd.s32 s6, s10;
	s9 =	sor.u32 $0x1, s13  }
0x10: {  	s10 =	sor.u32 $0x2, s13;
	s11 =	sadd.s32 $0x51800, s12;
	s12 =	smax.u32 s14, $0x1  }
0x11: {  	s13 =	sshrl.u32 s15, $0x3;
	s14 =	simm.s32 $0x5;
	s15 =	simm.s32 $0x1  }
.LBB2_1:
0x12: {  	[spmem:s13], [sflag:s7] =	dma.local [hbm:s1], $0x2800  }
0x13: {  	_ =	swait.ge [sflag:s14], $0x2800  }
0x14: {  	[sflag:s14] =	ssyncset.done $0x0  }
0x15: {  	[sflag:s14] =	ssyncadd.s32 $0xFFFFD800  }
0x16: {  	[bflag:$0x0] =	sbarrier.arrive $0xFFFF  }
0x17: {  	[tilespmem:s4], [sflag:$0x1] =	stream.linear.gather [hbm4b:s8+s4], $0x180, $0x38;
	[tilespmem:$0x1C400] =	vst v63  }
0x18: {  	_ =	swait.ge [sflag:s15], $0x180  }
0x19: {  	[sflag:s15] =	ssyncset.done $0x0  }
0x1a: {  	s25 =	simm.s32 $0x0;
	[sflag:s15] =	ssyncadd.s32 $0xFFFFFE80  }
0x1b: {  	[tilespmem:s17], [sflag:$0x3] =	stream.indirect.gather [hbm4b:s5+s16], $0x80, s4, s16, $0xb8;
	[tilespmem:$0x1C400] =	vst v63  }
.LBB2_2:
0x1c: {  	s26 =	sshll.u32 s25, $0x1  }
0x1d: {  	s28 =	sadd.s32 s26, s9  }
0x1e: {  	s28 =	sshll.u32 s28, $0x6  }
0x1f: {  	s29 =	simm.s32 $0x0;
	s28 =	sand.u32 $0x1FFFFFC0, s28  }
0x20: {  	s30 =	simm.s32 $0x3;
	v0 =	vmov s29;
	s28 =	sadd.s32 s6, s28  }
0x21: {  	v1 =	vmov s30;
	v0 =	vand.u32 $0x7C, v0;
	[tilespmem:s18], [sflag:$0x2] =	stream.linear.gather [hbm4b:s28+s29], $0x180, $0x38;
	[tilespmem:$0x1C400] =	vst v63  }
0x22: {  	v1 =	vand.u32 $0x7F, v1;
	v0 =	vor.u32 $0x100, v0;
	_ =	swait.ge [sflag:s19], $0x180  }
0x23: {  	v1 =	vor.u32 $0x100, v1;
	v0 =	vbroadcast v0, $0x0;
	[sflag:s19] =	ssyncset.done $0x0  }
0x24: {  	v1 =	vbroadcast v1, $0x0;
	[sflag:s19] =	ssyncadd.s32 $0xFFFFFE80  }
0x25: {  	[tilespmem:s20], [sflag:$0x4] =	stream.indirect.gather [hbm4b:s5+s16], $0x80, s18, s16, $0xb8;
	[tilespmem:$0x1C400] =	vst v63  }
0x26: {  	_ =	swait.ge [sflag:s21], $0x4000  }
0x27: {  	[sflag:s21] =	ssyncset.done $0x0  }
0x28: {  	[sflag:s21] =	ssyncadd.s32 $0xFFFFC000  }
0x29: {  	s29 =	simm.s32 $0x1;
	v2 =	vld.idx.msk [tilespmem:v0+s4+$0x0], $0xffff  }
0x2a: {  	s28 =	simm.s32 $0x500;
	v3 =	vmov s29;
	v0 =	vld.idx.msk [tilespmem:v1+s4+$0x0], $0xffff  }
0x2b: {  	v1 =	vand.u32 $0x7D, v3;
	v3 =	vld [tilespmem:s28+$0xF0]  }
0x2c: {  	v4 =	vld [tilespmem:s28+$0xFFFFFF00]  }
0x2d: {  	v5 =	vld [tilespmem:s28+$0xFFFFFF10];
	v1 =	vor.u32 $0x100, v1  }
0x2e: {  	v6 =	vld [tilespmem:s28+$0xFFFFFF20];
	v1 =	vbroadcast v1, $0x0  }
0x2f: {  	v7 =	vld [tilespmem:s28+$0xFFFFFF30]  }
0x30: {  	v8 =	vld [tilespmem:s28+$0xFFFFFF40]  }
0x31: {  	v9 =	vld [tilespmem:s28+$0xFFFFFF50];
	v4 =	vmul.f32 v2, v4  }
0x32: {  	v10 =	vld [tilespmem:s28+$0xFFFFFF60]  }
0x33: {  	s29 =	simm.s32 $0x2;
	v3 =	vmul.f32 v0, v3;
	[tilespmem:s28+$0xFFFFFF00] =	vst v4;
	v4 =	vld [tilespmem:s28+$0xFFFFFF70]  }
0x34: {  	v11 =	vmov s29;
	v5 =	vmul.f32 v2, v5;
	v12 =	vld.idx.msk [tilespmem:v1+s4+$0x0], $0xffff  }
0x35: {  	[tilespmem:s28+$0xF0] =	vst v3;
	v3 =	vmul.f32 v2, v6;
	v1 =	vand.u32 $0x7E, v11;
	v11 =	vld [tilespmem:s28+$0xFFFFFF80]  }
0x36: {  	v6 =	vld [tilespmem:s28+$0xFFFFFF90];
	[tilespmem:s28+$0xFFFFFF10] =	vst v5;
	v5 =	vmul.f32 v2, v7;
	v1 =	vor.u32 $0x100, v1  }
0x37: {  	v7 =	vld [tilespmem:s28+$0xFFFFFFA0];
	[tilespmem:s28+$0xFFFFFF20] =	vst v3;
	v3 =	vmul.f32 v2, v8;
	v1 =	vbroadcast v1, $0x0  }
0x38: {  	v8 =	vld [tilespmem:s28+$0xFFFFFFB0];
	[tilespmem:s28+$0xFFFFFF30] =	vst v5;
	v5 =	vmul.f32 v2, v9  }
0x39: {  	v10 =	vmul.f32 v2, v10;
	v9 =	vld [tilespmem:s28+$0xFFFFFFC0];
	[tilespmem:s28+$0xFFFFFF40] =	vst v3;
	v2 =	vmul.f32 v2, v4  }
0x3a: {  	[tilespmem:s28+$0xFFFFFF50] =	vst v5;
	v5 =	vld [tilespmem:s28+$0xFFFFFFE0];
	v3 =	vmul.f32 v12, v11  }
0x3b: {  	v11 =	vld [tilespmem:s28+$0xFFFFFFD0];
	[tilespmem:s28+$0xFFFFFF70] =	vst v2  }
0x3c: {  	v2 =	vmul.f32 v12, v7;
	[tilespmem:s28+$0xFFFFFF80] =	vst v3;
	v3 =	vmul.f32 v12, v6;
	v6 =	vld [tilespmem:s28+$0x0]  }
0x3d: {  	[tilespmem:s28+$0xFFFFFF60] =	vst v10;
	v1 =	vld.idx.msk [tilespmem:v1+s4+$0x0], $0xffff  }
0x3e: {  	v4 =	vld [tilespmem:s28+$0xFFFFFFF0];
	[tilespmem:s28+$0xFFFFFFA0] =	vst v2;
	v2 =	vmul.f32 v12, v9  }
0x3f: {  	v7 =	vld [tilespmem:s28+$0x10];
	[tilespmem:s28+$0xFFFFFF90] =	vst v3;
	v3 =	vmul.f32 v12, v8  }
0x40: {  	v5 =	vmul.f32 v12, v5;
	v8 =	vld [tilespmem:s28+$0x20];
	[tilespmem:s28+$0xFFFFFFC0] =	vst v2  }
0x41: {  	s29 =	simm.s32 $0x4;
	v9 =	vld [tilespmem:s28+$0x30];
	[tilespmem:s28+$0xFFFFFFB0] =	vst v3;
	v3 =	vmul.f32 v12, v11  }
0x42: {  	v10 =	vmov s29;
	s29 =	simm.s32 $0x5;
	v2 =	vld [tilespmem:s28+$0x40];
	[tilespmem:s28+$0xFFFFFFE0] =	vst v5;
	v6 =	vmul.f32 v1, v6  }
0x43: {  	v10 =	vand.u32 $0x7C, v10;
	v63 =	vmov s29;
	s29 =	simm.s32 $0x6;
	v11 =	vmul.f32 v12, v4;
	[tilespmem:s28+$0xFFFFFFD0] =	vst v3;
	v3 =	vld [tilespmem:s28+$0x50]  }
0x44: {  	v5 =	vor.u32 $0x100, v10;
	v4 =	vld [tilespmem:s28+$0x60];
	v7 =	vmul.f32 v1, v7;
	[tilespmem:s28+$0x0] =	vst v6;
	v6 =	vmov s29  }
0x45: {  	[tilespmem:s28+$0xFFFFFFF0] =	vst v11;
	v11 =	vand.u32 $0x7D, v63;
	v8 =	vmul.f32 v1, v8;
	v10 =	vand.u32 $0x7E, v6;
	v6 =	vld [tilespmem:s28+$0x70]  }
0x46: {  	s31 =	simm.s32 $0x7;
	s30 =	simm.s32 $0x8;
	v5 =	vbroadcast v5, $0x0;
	v9 =	vmul.f32 v1, v9;
	v11 =	vor.u32 $0x100, v11;
	[tilespmem:s28+$0x10] =	vst v7;
	v7 =	vld [tilespmem:s28+$0x80];
	s29 =	simm.s32 $0x500  }
.LBB2_3:
0x47: {  	p0 =	slt.u32 s30, $0x7C;
	v10 =	vor.u32 $0x100, v10;
	v12 =	vmov s31;
	[tilespmem:s28+$0x20] =	vst v8;
	v2 =	vmul.f32 v1, v2;
	v8 =	vld [tilespmem:s28+$0x90]  }
0x48: {  	v11 =	vbroadcast v11, $0x0;
	v12 =	vand.u32 $0x7F, v12;
	[tilespmem:s28+$0x30] =	vst v9;
	v3 =	vmul.f32 v1, v3;
	v9 =	vld [tilespmem:s28+$0xA0]  }
0x49: {  	v10 =	vbroadcast v10, $0x0;
	v12 =	vor.u32 $0x100, v12;
	[tilespmem:s28+$0x40] =	vst v2;
	v2 =	vmul.f32 v1, v4;
	v4 =	vld [tilespmem:s28+$0xB0]  }
0x4a: {  	v12 =	vbroadcast v12, $0x0;
	[tilespmem:s28+$0x50] =	vst v3;
	v1 =	vmul.f32 v1, v6;
	v3 =	vld [tilespmem:s28+$0xC0]  }
0x4b: {  	[tilespmem:s28+$0x60] =	vst v2;
	v2 =	vmul.f32 v0, v7;
	v6 =	vld [tilespmem:s28+$0xD0]  }
0x4c: {  	[tilespmem:s28+$0x70] =	vst v1;
	v1 =	vmul.f32 v0, v8;
	v7 =	vld [tilespmem:s28+$0xE0]  }
0x4d: {  	v5 =	vld.idx.msk [tilespmem:v5+s4+$0x0], $0xffff;
	[tilespmem:s28+$0x80] =	vst v2;
	v2 =	vmul.f32 v0, v9  }
0x4e: {  	v8 =	vld.idx.msk [tilespmem:v11+s4+$0x0], $0xffff;
	[tilespmem:s28+$0x90] =	vst v1;
	v4 =	vmul.f32 v0, v4  }
0x4f: {  	v1 =	vld.idx.msk [tilespmem:v10+s4+$0x0], $0xffff;
	[tilespmem:s28+$0xA0] =	vst v2;
	v2 =	vmul.f32 v0, v3  }
0x50: {  	s28 =	sadd.s32 $0x200, s28;
	v3 =	vld.idx.msk [tilespmem:v12+s4+$0x0], $0xffff;
	[tilespmem:s29+$0xB0] =	vst v4;
	v4 =	vmul.f32 v0, v6  }
0x51: {  	v6 =	vld [tilespmem:s28+$0xF0];
	[tilespmem:s29+$0xC0] =	vst v2;
	v0 =	vmul.f32 v0, v7  }
0x52: {  	v2 =	vld [tilespmem:s28+$0xFFFFFF00];
	[tilespmem:s29+$0xD0] =	vst v4  }
0x53: {  	v4 =	vld [tilespmem:s28+$0xFFFFFF10];
	[tilespmem:s29+$0xE0] =	vst v0;
	s29 =	smov.u32 s28  }
0x54: {  	v7 =	vld [tilespmem:s28+$0xFFFFFF20]  }
0x55: {  	v9 =	vld [tilespmem:s28+$0xFFFFFF30]  }
0x56: {  	v0 =	vmov v3;
	v10 =	vld [tilespmem:s28+$0xFFFFFF40];
	v6 =	vmul.f32 v3, v6  }
0x57: {  	v2 =	vmul.f32 v5, v2;
	v3 =	vld [tilespmem:s28+$0xFFFFFF50]  }
0x58: {  	v4 =	vmul.f32 v5, v4;
	v11 =	vld [tilespmem:s28+$0xFFFFFF60];
	[tilespmem:s28+$0xF0] =	vst v6  }
0x59: {  	[tilespmem:s28+$0xFFFFFF00] =	vst v2;
	v2 =	vmul.f32 v5, v7;
	v6 =	vld [tilespmem:s28+$0xFFFFFF70]  }
0x5a: {  	[tilespmem:s28+$0xFFFFFF10] =	vst v4;
	v4 =	vmul.f32 v5, v9;
	v7 =	vld [tilespmem:s28+$0xFFFFFF80]  }
0x5b: {  	[tilespmem:s28+$0xFFFFFF20] =	vst v2;
	v2 =	vmul.f32 v5, v10;
	v9 =	vld [tilespmem:s28+$0xFFFFFF90]  }
0x5c: {  	[tilespmem:s28+$0xFFFFFF30] =	vst v4;
	v3 =	vmul.f32 v5, v3;
	v4 =	vld [tilespmem:s28+$0xFFFFFFA0]  }
0x5d: {  	[tilespmem:s28+$0xFFFFFF40] =	vst v2;
	v2 =	vmul.f32 v5, v11;
	v10 =	vld [tilespmem:s28+$0xFFFFFFB0]  }
0x5e: {  	[tilespmem:s28+$0xFFFFFF50] =	vst v3;
	v3 =	vmul.f32 v5, v6;
	v5 =	vld [tilespmem:s28+$0xFFFFFFC0]  }
0x5f: {  	[tilespmem:s28+$0xFFFFFF60] =	vst v2;
	v2 =	vmul.f32 v8, v7;
	v6 =	vld [tilespmem:s28+$0xFFFFFFD0]  }
0x60: {  	[tilespmem:s28+$0xFFFFFF70] =	vst v3;
	v3 =	vmul.f32 v8, v9;
	v7 =	vld [tilespmem:s28+$0xFFFFFFE0]  }
0x61: {  	[tilespmem:s28+$0xFFFFFF80] =	vst v2;
	v2 =	vmul.f32 v8, v4;
	v4 =	vld [tilespmem:s28+$0xFFFFFFF0]  }
0x62: {  	[tilespmem:s28+$0xFFFFFF90] =	vst v3;
	v3 =	vmul.f32 v8, v10;
	v9 =	vld [tilespmem:s28+$0x0]  }
0x63: {  	[tilespmem:s28+$0xFFFFFFA0] =	vst v2;
	v2 =	vmul.f32 v8, v5;
	v5 =	vld [tilespmem:s28+$0x10]  }
0x64: {  	[tilespmem:s28+$0xFFFFFFB0] =	vst v3;
	v3 =	vmul.f32 v8, v6;
	v6 =	vld [tilespmem:s28+$0x20]  }
0x65: {  	[tilespmem:s28+$0xFFFFFFC0] =	vst v2;
	v7 =	vmul.f32 v8, v7;
	v12 =	vld [tilespmem:s28+$0x30]  }
.Ltmp0:
0x66: {  	s31 =	sadd.s32 $0x1, s30;
	v10 =	vmov s30;
	[tilespmem:s28+$0xFFFFFFD0] =	vst v3;
	v4 =	vmul.f32 v8, v4;
	v2 =	vld [tilespmem:s28+$0x40];
	(pc) =	sbr.rel @p0 .LBB2_3-.Ltmp0, $4  }
0x67: {  	v8 =	vand.u32 $0x7C, v10;
	v10 =	vmov s31;
	s31 =	sadd.s32 $0x2, s30;
	[tilespmem:s28+$0xFFFFFFE0] =	vst v7;
	v7 =	vmul.f32 v1, v9;
	v3 =	vld [tilespmem:s28+$0x50]  }
0x68: {  	v9 =	vor.u32 $0x100, v8;
	v8 =	vmov s31;
	[tilespmem:s28+$0xFFFFFFF0] =	vst v4;
	v13 =	vmul.f32 v1, v5;
	v4 =	vld [tilespmem:s28+$0x60]  }
0x69: {  	v11 =	vand.u32 $0x7D, v10;
	v10 =	vand.u32 $0x7E, v8;
	[tilespmem:s28+$0x0] =	vst v7;
	v8 =	vmul.f32 v1, v6;
	v6 =	vld [tilespmem:s28+$0x70]  }
0x6a: {  	s31 =	sadd.s32 $0x3, s30;
	s30 =	sadd.s32 $0x4, s30;
	v5 =	vbroadcast v9, $0x0;
	v11 =	vor.u32 $0x100, v11;
	[tilespmem:s28+$0x10] =	vst v13;
	v9 =	vmul.f32 v1, v12;
	v7 =	vld [tilespmem:s28+$0x80]  }
0x6b: {  	v13 =	vld [tilespmem:s28+$0x90]  }
0x6c: {  	v14 =	vld [tilespmem:s28+$0xA0]  }
0x6d: {  	v12 =	vmov s31;
	v10 =	vor.u32 $0x100, v10;
	v11 =	vbroadcast v11, $0x0;
	v15 =	vld [tilespmem:s28+$0xB0]  }
0x6e: {  	v16 =	vld [tilespmem:s28+$0xC0];
	[tilespmem:s28+$0x20] =	vst v8;
	v2 =	vmul.f32 v1, v2;
	v12 =	vand.u32 $0x7F, v12;
	v10 =	vbroadcast v10, $0x0  }
0x6f: {  	v8 =	vld [tilespmem:s28+$0xD0];
	[tilespmem:s28+$0x30] =	vst v9;
	v3 =	vmul.f32 v1, v3;
	v12 =	vor.u32 $0x100, v12  }
0x70: {  	v9 =	vld [tilespmem:s28+$0xE0];
	[tilespmem:s28+$0x40] =	vst v2;
	v2 =	vmul.f32 v1, v4;
	v12 =	vbroadcast v12, $0x0  }
0x71: {  	s30 =	sadd.s32 $0x200, s28;
	v4 =	vld.idx.msk [tilespmem:v5+s4+$0x0], $0xffff;
	[tilespmem:s28+$0x50] =	vst v3;
	v1 =	vmul.f32 v1, v6  }
0x72: {  	[tilespmem:s28+$0x60] =	vst v2;
	v2 =	vmul.f32 v0, v7;
	v7 =	vld [tilespmem:s30+$0xF0]  }
0x73: {  	[tilespmem:s28+$0x70] =	vst v1;
	v1 =	vmul.f32 v0, v13;
	v3 =	vld.idx.msk [tilespmem:v11+s4+$0x0], $0xffff  }
0x74: {  	[tilespmem:s28+$0x80] =	vst v2;
	v2 =	vmul.f32 v0, v14;
	v5 =	vld.idx.msk [tilespmem:v10+s4+$0x0], $0xffff  }
0x75: {  	[tilespmem:s28+$0x90] =	vst v1;
	v1 =	vmul.f32 v0, v15;
	v10 =	vld [tilespmem:s30+$0xFFFFFF00]  }
0x76: {  	[tilespmem:s28+$0xA0] =	vst v2;
	v2 =	vmul.f32 v0, v16;
	v6 =	vld.idx.msk [tilespmem:v12+s4+$0x0], $0xffff  }
0x77: {  	v11 =	vld [tilespmem:s30+$0xFFFFFF10];
	[tilespmem:s29+$0xB0] =	vst v1;
	v1 =	vmul.f32 v0, v8  }
0x78: {  	v8 =	vld [tilespmem:s30+$0xFFFFFF20];
	v0 =	vmul.f32 v0, v9;
	[tilespmem:s29+$0xC0] =	vst v2  }
0x79: {  	v2 =	vld [tilespmem:s30+$0xFFFFFF30];
	[tilespmem:s29+$0xD0] =	vst v1  }
0x7a: {  	v1 =	vld [tilespmem:s30+$0xFFFFFF40];
	[tilespmem:s29+$0xE0] =	vst v0;
	v0 =	vmul.f32 v4, v10  }
0x7b: {  	v9 =	vld [tilespmem:s30+$0xFFFFFF50];
	v7 =	vmul.f32 v6, v7  }
0x7c: {  	v10 =	vmul.f32 v4, v11;
	v11 =	vld [tilespmem:s30+$0xFFFFFF60];
	[tilespmem:s30+$0xFFFFFF00] =	vst v0  }
0x7d: {  	v0 =	vmul.f32 v4, v8;
	[tilespmem:s30+$0xF0] =	vst v7;
	v7 =	vld [tilespmem:s30+$0xFFFFFF70]  }
0x7e: {  	[tilespmem:s30+$0xFFFFFF10] =	vst v10;
	v8 =	vld [tilespmem:s30+$0xFFFFFF80];
	v2 =	vmul.f32 v4, v2  }
0x7f: {  	[tilespmem:s30+$0xFFFFFF20] =	vst v0;
	v0 =	vmul.f32 v4, v1;
	v1 =	vld [tilespmem:s30+$0xFFFFFF90]  }
0x80: {  	[tilespmem:s30+$0xFFFFFF30] =	vst v2;
	v2 =	vmul.f32 v4, v9;
	v9 =	vld [tilespmem:s30+$0xFFFFFFA0]  }
0x81: {  	v10 =	vld [tilespmem:s30+$0xFFFFFFB0];
	[tilespmem:s30+$0xFFFFFF40] =	vst v0;
	v0 =	vmul.f32 v4, v11  }
0x82: {  	[tilespmem:s30+$0xFFFFFF50] =	vst v2;
	v2 =	vmul.f32 v4, v7;
	v4 =	vld [tilespmem:s30+$0xFFFFFFC0]  }
0x83: {  	[tilespmem:s30+$0xFFFFFF60] =	vst v0;
	v0 =	vmul.f32 v3, v8;
	v7 =	vld [tilespmem:s30+$0xFFFFFFD0]  }
0x84: {  	v1 =	vmul.f32 v3, v1;
	[tilespmem:s30+$0xFFFFFF70] =	vst v2;
	v2 =	vld [tilespmem:s30+$0xFFFFFFE0]  }
0x85: {  	v8 =	vld [tilespmem:s30+$0xFFFFFFF0];
	[tilespmem:s30+$0xFFFFFF80] =	vst v0;
	v0 =	vmul.f32 v3, v9  }
0x86: {  	v9 =	vld [tilespmem:s30+$0x0];
	[tilespmem:s30+$0xFFFFFF90] =	vst v1;
	v1 =	vmul.f32 v3, v10  }
0x87: {  	[tilespmem:s30+$0xFFFFFFA0] =	vst v0;
	v0 =	vmul.f32 v3, v4;
	v4 =	vld [tilespmem:s30+$0x10]  }
0x88: {  	[tilespmem:s30+$0xFFFFFFB0] =	vst v1;
	v1 =	vmul.f32 v3, v7;
	v7 =	vld [tilespmem:s30+$0x20]  }
0x89: {  	[tilespmem:s30+$0xFFFFFFC0] =	vst v0;
	v0 =	vmul.f32 v3, v2;
	v2 =	vld [tilespmem:s30+$0x30]  }
0x8a: {  	[tilespmem:s30+$0xFFFFFFD0] =	vst v1;
	v1 =	vmul.f32 v3, v8;
	v3 =	vld [tilespmem:s30+$0x40]  }
0x8b: {  	v8 =	vld [tilespmem:s30+$0x50];
	[tilespmem:s30+$0xFFFFFFE0] =	vst v0;
	v0 =	vmul.f32 v5, v9  }
0x8c: {  	[tilespmem:s30+$0xFFFFFFF0] =	vst v1;
	v1 =	vmul.f32 v5, v4;
	v4 =	vld [tilespmem:s30+$0x60]  }
0x8d: {  	[tilespmem:s30+$0x0] =	vst v0;
	v0 =	vmul.f32 v5, v7;
	v7 =	vld [tilespmem:s30+$0x70]  }
0x8e: {  	[tilespmem:s30+$0x10] =	vst v1;
	v1 =	vmul.f32 v5, v2;
	v2 =	vld [tilespmem:s30+$0x80]  }
0x8f: {  	[tilespmem:s30+$0x20] =	vst v0;
	v0 =	vmul.f32 v5, v3;
	v3 =	vld [tilespmem:s30+$0x90]  }
0x90: {  	[tilespmem:s30+$0x30] =	vst v1;
	v1 =	vmul.f32 v5, v8;
	v8 =	vld [tilespmem:s30+$0xA0]  }
0x91: {  	[tilespmem:s30+$0x40] =	vst v0;
	v0 =	vmul.f32 v5, v4;
	v4 =	vld [tilespmem:s30+$0xB0]  }
0x92: {  	[tilespmem:s30+$0x50] =	vst v1;
	v1 =	vmul.f32 v5, v7;
	v5 =	vld [tilespmem:s30+$0xC0]  }
0x93: {  	[tilespmem:s30+$0x60] =	vst v0;
	v0 =	vmul.f32 v6, v2;
	v2 =	vld [tilespmem:s30+$0xD0]  }
0x94: {  	[tilespmem:s30+$0x70] =	vst v1;
	v1 =	vmul.f32 v6, v3;
	v3 =	vld [tilespmem:s30+$0xE0]  }
0x95: {  	[tilespmem:s30+$0x80] =	vst v0;
	v0 =	vmul.f32 v6, v8  }
0x96: {  	[tilespmem:s30+$0x90] =	vst v1;
	v1 =	vmul.f32 v6, v4  }
0x97: {  	[tilespmem:s30+$0xA0] =	vst v0;
	v0 =	vmul.f32 v6, v5  }
0x98: {  	[tilespmem:s30+$0xB0] =	vst v1;
	v1 =	vmul.f32 v6, v2  }
0x99: {  	[tilespmem:s30+$0xC0] =	vst v0;
	v0 =	vmul.f32 v6, v3  }
0x9a: {  	[tilespmem:s30+$0xD0] =	vst v1  }
0x9b: {  	s26 =	smin.u32 s26, $0x4D;
	[tilespmem:s30+$0xE0] =	vst v0  }
0x9c: {  	[spmem:s2] =	stream.indirect.scatter.add.f32 [tilespmem:s17], [sflag:$0x5], $0x80, s16, s16, $0xb8;
	[tilespmem:$0x1C400] =	vst v63  }
0x9d: {  	s26 =	sadd.s32 s26, s10;
	_ =	swait.ge [sflag:s14], $0x4000  }
0x9e: {  	s26 =	sshll.u32 s26, $0x6;
	s28 =	simm.s32 $0x0;
	[sflag:s14] =	ssyncset.done $0x0  }
0x9f: {  	s26 =	sadd.s32 s6, s26;
	s29 =	simm.s32 $0x3;
	v0 =	vmov s28;
	[sflag:s14] =	ssyncadd.s32 $0xFFFFC000  }
0xa0: {  	v1 =	vmov s29;
	v0 =	vand.u32 $0x7C, v0;
	[tilespmem:s28], [sflag:$0x1] =	stream.linear.gather [hbm4b:s26+s28], $0x180, $0x38;
	[tilespmem:$0x1C400] =	vst v63  }
0xa1: {  	v1 =	vand.u32 $0x7F, v1;
	v0 =	vor.u32 $0x100, v0;
	_ =	swait.ge [sflag:s15], $0x180  }
0xa2: {  	v1 =	vor.u32 $0x100, v1;
	v0 =	vbroadcast v0, $0x0;
	[sflag:s15] =	ssyncset.done $0x0  }
0xa3: {  	v1 =	vbroadcast v1, $0x0;
	[sflag:s15] =	ssyncadd.s32 $0xFFFFFE80  }
0xa4: {  	[tilespmem:s17], [sflag:$0x3] =	stream.indirect.gather [hbm4b:s5+s16], $0x80, s28, s16, $0xb8;
	[tilespmem:$0x1C400] =	vst v63  }
0xa5: {  	_ =	swait.ge [sflag:s22], $0x4000  }
0xa6: {  	[sflag:s22] =	ssyncset.done $0x0  }
0xa7: {  	[sflag:s22] =	ssyncadd.s32 $0xFFFFC000  }
0xa8: {  	s28 =	simm.s32 $0x1;
	v2 =	vld.idx.msk [tilespmem:v0+s18+$0x0], $0xffff  }
0xa9: {  	s26 =	simm.s32 $0x4500;
	v3 =	vmov s28;
	v0 =	vld.idx.msk [tilespmem:v1+s18+$0x0], $0xffff  }
0xaa: {  	v1 =	vand.u32 $0x7D, v3;
	v3 =	vld [tilespmem:s26+$0xF0]  }
0xab: {  	v4 =	vld [tilespmem:s26+$0xFFFFFF00]  }
0xac: {  	v5 =	vld [tilespmem:s26+$0xFFFFFF10]  }
0xad: {  	v6 =	vld [tilespmem:s26+$0xFFFFFF20];
	v1 =	vor.u32 $0x100, v1  }
0xae: {  	v7 =	vld [tilespmem:s26+$0xFFFFFF30];
	v1 =	vbroadcast v1, $0x0  }
0xaf: {  	v8 =	vld [tilespmem:s26+$0xFFFFFF40]  }
0xb0: {  	v9 =	vld [tilespmem:s26+$0xFFFFFF50];
	v4 =	vmul.f32 v2, v4  }
0xb1: {  	v10 =	vld [tilespmem:s26+$0xFFFFFF60];
	v3 =	vmul.f32 v0, v3  }
0xb2: {  	[tilespmem:s26+$0xFFFFFF00] =	vst v4;
	v4 =	vld [tilespmem:s26+$0xFFFFFF70]  }
0xb3: {  	s28 =	simm.s32 $0x2;
	v5 =	vmul.f32 v2, v5;
	[tilespmem:s26+$0xF0] =	vst v3;
	v3 =	vmul.f32 v2, v6;
	v6 =	vld [tilespmem:s26+$0xFFFFFF90]  }
0xb4: {  	v11 =	vmov s28;
	v62 =	vld.idx.msk [tilespmem:v1+s18+$0x0], $0xffff  }
0xb5: {  	[tilespmem:s26+$0xFFFFFF10] =	vst v5;
	v5 =	vmul.f32 v2, v7;
	v1 =	vand.u32 $0x7E, v11;
	v11 =	vld [tilespmem:s26+$0xFFFFFF80]  }
0xb6: {  	v10 =	vmul.f32 v2, v10;
	v7 =	vld [tilespmem:s26+$0xFFFFFFA0];
	v1 =	vor.u32 $0x100, v1;
	[tilespmem:s26+$0xFFFFFF20] =	vst v3;
	v3 =	vmul.f32 v2, v8  }
0xb7: {  	v8 =	vld [tilespmem:s26+$0xFFFFFFB0];
	[tilespmem:s26+$0xFFFFFF30] =	vst v5;
	v5 =	vmul.f32 v2, v9;
	v1 =	vbroadcast v1, $0x0  }
0xb8: {  	[tilespmem:s26+$0xFFFFFF60] =	vst v10;
	v9 =	vld [tilespmem:s26+$0xFFFFFFC0]  }
0xb9: {  	[tilespmem:s26+$0xFFFFFF50] =	vst v5;
	v5 =	vld [tilespmem:s26+$0xFFFFFFE0];
	v2 =	vmul.f32 v2, v4  }
0xba: {  	[tilespmem:s26+$0xFFFFFF40] =	vst v3;
	v4 =	vld [tilespmem:s26+$0xFFFFFFF0];
	v3 =	vmul.f32 v62, v11  }
0xbb: {  	v11 =	vld [tilespmem:s26+$0xFFFFFFD0];
	[tilespmem:s26+$0xFFFFFF70] =	vst v2;
	v2 =	vmul.f32 v62, v7  }
0xbc: {  	[tilespmem:s26+$0xFFFFFF80] =	vst v3;
	v3 =	vmul.f32 v62, v6;
	v6 =	vld [tilespmem:s26+$0x0]  }
0xbd: {  	v1 =	vld.idx.msk [tilespmem:v1+s18+$0x0], $0xffff;
	[tilespmem:s26+$0xFFFFFFA0] =	vst v2;
	v2 =	vmul.f32 v62, v9  }
0xbe: {  	v7 =	vld [tilespmem:s26+$0x10];
	[tilespmem:s26+$0xFFFFFF90] =	vst v3;
	v3 =	vmul.f32 v62, v8  }
0xbf: {  	v5 =	vmul.f32 v62, v5;
	v8 =	vld [tilespmem:s26+$0x20];
	[tilespmem:s26+$0xFFFFFFC0] =	vst v2  }
0xc0: {  	s28 =	simm.s32 $0x4;
	v9 =	vld [tilespmem:s26+$0x30];
	[tilespmem:s26+$0xFFFFFFB0] =	vst v3;
	v3 =	vmul.f32 v62, v11  }
0xc1: {  	v10 =	vmov s28;
	s28 =	simm.s32 $0x5;
	v2 =	vld [tilespmem:s26+$0x40];
	[tilespmem:s26+$0xFFFFFFE0] =	vst v5;
	v11 =	vmul.f32 v62, v4  }
0xc2: {  	v10 =	vand.u32 $0x7C, v10;
	v63 =	vmov s28;
	s28 =	simm.s32 $0x6;
	[tilespmem:s26+$0xFFFFFFD0] =	vst v3;
	v6 =	vmul.f32 v1, v6;
	v3 =	vld [tilespmem:s26+$0x50]  }
0xc3: {  	v5 =	vor.u32 $0x100, v10;
	v10 =	vmov s28;
	v4 =	vld [tilespmem:s26+$0x60];
	v7 =	vmul.f32 v1, v7;
	[tilespmem:s26+$0xFFFFFFF0] =	vst v11  }
0xc4: {  	v10 =	vand.u32 $0x7E, v10;
	v11 =	vand.u32 $0x7D, v63;
	v8 =	vmul.f32 v1, v8;
	[tilespmem:s26+$0x0] =	vst v6;
	v6 =	vld [tilespmem:s26+$0x70]  }
0xc5: {  	s29 =	simm.s32 $0x8;
	s30 =	simm.s32 $0x7;
	s28 =	simm.s32 $0x4500;
	v5 =	vbroadcast v5, $0x0;
	v9 =	vmul.f32 v1, v9;
	v11 =	vor.u32 $0x100, v11;
	[tilespmem:s26+$0x10] =	vst v7;
	v7 =	vld [tilespmem:s26+$0x80]  }
.LBB2_5:
0xc6: {  	p0 =	slt.u32 s29, $0x7C;
	v10 =	vor.u32 $0x100, v10;
	v12 =	vmov s30;
	[tilespmem:s26+$0x20] =	vst v8;
	v2 =	vmul.f32 v1, v2;
	v8 =	vld [tilespmem:s26+$0x90]  }
0xc7: {  	v11 =	vbroadcast v11, $0x0;
	v12 =	vand.u32 $0x7F, v12;
	[tilespmem:s26+$0x30] =	vst v9;
	v3 =	vmul.f32 v1, v3;
	v9 =	vld [tilespmem:s26+$0xA0]  }
0xc8: {  	v10 =	vbroadcast v10, $0x0;
	v12 =	vor.u32 $0x100, v12;
	[tilespmem:s26+$0x40] =	vst v2;
	v2 =	vmul.f32 v1, v4;
	v4 =	vld [tilespmem:s26+$0xB0]  }
0xc9: {  	v12 =	vbroadcast v12, $0x0;
	[tilespmem:s26+$0x50] =	vst v3;
	v1 =	vmul.f32 v1, v6;
	v3 =	vld [tilespmem:s26+$0xC0]  }
0xca: {  	[tilespmem:s26+$0x60] =	vst v2;
	v2 =	vmul.f32 v0, v7;
	v6 =	vld [tilespmem:s26+$0xD0]  }
0xcb: {  	[tilespmem:s26+$0x70] =	vst v1;
	v1 =	vmul.f32 v0, v8;
	v7 =	vld [tilespmem:s26+$0xE0]  }
0xcc: {  	v5 =	vld.idx.msk [tilespmem:v5+s18+$0x0], $0xffff;
	[tilespmem:s26+$0x80] =	vst v2;
	v2 =	vmul.f32 v0, v9  }
0xcd: {  	v8 =	vld.idx.msk [tilespmem:v11+s18+$0x0], $0xffff;
	[tilespmem:s26+$0x90] =	vst v1;
	v4 =	vmul.f32 v0, v4  }
0xce: {  	v1 =	vld.idx.msk [tilespmem:v10+s18+$0x0], $0xffff;
	[tilespmem:s26+$0xA0] =	vst v2;
	v2 =	vmul.f32 v0, v3  }
0xcf: {  	s26 =	sadd.s32 $0x200, s26;
	v3 =	vld.idx.msk [tilespmem:v12+s18+$0x0], $0xffff;
	[tilespmem:s28+$0xB0] =	vst v4;
	v4 =	vmul.f32 v0, v6  }
0xd0: {  	v6 =	vld [tilespmem:s26+$0xF0];
	[tilespmem:s28+$0xC0] =	vst v2;
	v0 =	vmul.f32 v0, v7  }
0xd1: {  	v2 =	vld [tilespmem:s26+$0xFFFFFF00];
	[tilespmem:s28+$0xD0] =	vst v4  }
0xd2: {  	v4 =	vld [tilespmem:s26+$0xFFFFFF10];
	[tilespmem:s28+$0xE0] =	vst v0;
	s28 =	smov.u32 s26  }
0xd3: {  	v7 =	vld [tilespmem:s26+$0xFFFFFF20]  }
0xd4: {  	v9 =	vld [tilespmem:s26+$0xFFFFFF30]  }
0xd5: {  	v0 =	vmov v3;
	v10 =	vld [tilespmem:s26+$0xFFFFFF40];
	v6 =	vmul.f32 v3, v6  }
0xd6: {  	v2 =	vmul.f32 v5, v2;
	v3 =	vld [tilespmem:s26+$0xFFFFFF50]  }
0xd7: {  	v4 =	vmul.f32 v5, v4;
	v11 =	vld [tilespmem:s26+$0xFFFFFF60];
	[tilespmem:s26+$0xF0] =	vst v6  }
0xd8: {  	[tilespmem:s26+$0xFFFFFF00] =	vst v2;
	v2 =	vmul.f32 v5, v7;
	v6 =	vld [tilespmem:s26+$0xFFFFFF70]  }
0xd9: {  	[tilespmem:s26+$0xFFFFFF10] =	vst v4;
	v4 =	vmul.f32 v5, v9;
	v7 =	vld [tilespmem:s26+$0xFFFFFF80]  }
0xda: {  	[tilespmem:s26+$0xFFFFFF20] =	vst v2;
	v2 =	vmul.f32 v5, v10;
	v9 =	vld [tilespmem:s26+$0xFFFFFF90]  }
0xdb: {  	[tilespmem:s26+$0xFFFFFF30] =	vst v4;
	v3 =	vmul.f32 v5, v3;
	v4 =	vld [tilespmem:s26+$0xFFFFFFA0]  }
0xdc: {  	[tilespmem:s26+$0xFFFFFF40] =	vst v2;
	v2 =	vmul.f32 v5, v11;
	v10 =	vld [tilespmem:s26+$0xFFFFFFB0]  }
0xdd: {  	[tilespmem:s26+$0xFFFFFF50] =	vst v3;
	v3 =	vmul.f32 v5, v6;
	v5 =	vld [tilespmem:s26+$0xFFFFFFC0]  }
0xde: {  	[tilespmem:s26+$0xFFFFFF60] =	vst v2;
	v2 =	vmul.f32 v8, v7;
	v6 =	vld [tilespmem:s26+$0xFFFFFFD0]  }
0xdf: {  	[tilespmem:s26+$0xFFFFFF70] =	vst v3;
	v3 =	vmul.f32 v8, v9;
	v7 =	vld [tilespmem:s26+$0xFFFFFFE0]  }
0xe0: {  	[tilespmem:s26+$0xFFFFFF80] =	vst v2;
	v2 =	vmul.f32 v8, v4;
	v4 =	vld [tilespmem:s26+$0xFFFFFFF0]  }
0xe1: {  	[tilespmem:s26+$0xFFFFFF90] =	vst v3;
	v3 =	vmul.f32 v8, v10;
	v9 =	vld [tilespmem:s26+$0x0]  }
0xe2: {  	[tilespmem:s26+$0xFFFFFFA0] =	vst v2;
	v2 =	vmul.f32 v8, v5;
	v5 =	vld [tilespmem:s26+$0x10]  }
0xe3: {  	[tilespmem:s26+$0xFFFFFFB0] =	vst v3;
	v3 =	vmul.f32 v8, v6;
	v6 =	vld [tilespmem:s26+$0x20]  }
0xe4: {  	[tilespmem:s26+$0xFFFFFFC0] =	vst v2;
	v7 =	vmul.f32 v8, v7;
	v12 =	vld [tilespmem:s26+$0x30]  }
.Ltmp1:
0xe5: {  	s30 =	sadd.s32 $0x1, s29;
	v10 =	vmov s29;
	[tilespmem:s26+$0xFFFFFFD0] =	vst v3;
	v4 =	vmul.f32 v8, v4;
	v2 =	vld [tilespmem:s26+$0x40];
	(pc) =	sbr.rel @p0 .LBB2_5-.Ltmp1, $4  }
0xe6: {  	v8 =	vand.u32 $0x7C, v10;
	v10 =	vmov s30;
	s30 =	sadd.s32 $0x2, s29;
	[tilespmem:s26+$0xFFFFFFE0] =	vst v7;
	v7 =	vmul.f32 v1, v9;
	v3 =	vld [tilespmem:s26+$0x50]  }
0xe7: {  	v9 =	vor.u32 $0x100, v8;
	v8 =	vmov s30;
	[tilespmem:s26+$0xFFFFFFF0] =	vst v4;
	v13 =	vmul.f32 v1, v5;
	v4 =	vld [tilespmem:s26+$0x60]  }
0xe8: {  	v11 =	vand.u32 $0x7D, v10;
	v10 =	vand.u32 $0x7E, v8;
	[tilespmem:s26+$0x0] =	vst v7;
	v8 =	vmul.f32 v1, v6;
	v6 =	vld [tilespmem:s26+$0x70]  }
0xe9: {  	s30 =	sadd.s32 $0x3, s29;
	s29 =	sadd.s32 $0x4, s29;
	v5 =	vbroadcast v9, $0x0;
	v11 =	vor.u32 $0x100, v11;
	[tilespmem:s26+$0x10] =	vst v13;
	v9 =	vmul.f32 v1, v12;
	v7 =	vld [tilespmem:s26+$0x80]  }
0xea: {  	v13 =	vld [tilespmem:s26+$0x90]  }
0xeb: {  	v14 =	vld [tilespmem:s26+$0xA0]  }
0xec: {  	v15 =	vld [tilespmem:s26+$0xB0]  }
0xed: {  	v16 =	vld [tilespmem:s26+$0xC0]  }
0xee: {  	[tilespmem:s26+$0x20] =	vst v8;
	v2 =	vmul.f32 v1, v2;
	v42 =	vld [tilespmem:s26+$0xD0]  }
0xef: {  	v43 =	vld [tilespmem:s26+$0xE0];
	[tilespmem:s26+$0x30] =	vst v9;
	v3 =	vmul.f32 v1, v3  }
0xf0: {  	s29 =	sadd.s32 $0x200, s26;
	v45 =	vld.idx.msk [tilespmem:v5+s18+$0x0], $0xffff;
	[tilespmem:s26+$0x40] =	vst v2;
	v44 =	vmul.f32 v1, v4  }
0xf1: {  	v51 =	vld [tilespmem:s29+$0xF0];
	[tilespmem:s26+$0x50] =	vst v3;
	v46 =	vmul.f32 v1, v6  }
0xf2: {  	v53 =	vld [tilespmem:s29+$0xFFFFFF00];
	[tilespmem:s26+$0x60] =	vst v44;
	v48 =	vmul.f32 v0, v7  }
0xf3: {  	v55 =	vld [tilespmem:s29+$0xFFFFFF10];
	[tilespmem:s26+$0x70] =	vst v46;
	v49 =	vmul.f32 v0, v13  }
0xf4: {  	v57 =	vld [tilespmem:s29+$0xFFFFFF20];
	v50 =	vmul.f32 v0, v14;
	[tilespmem:s26+$0x80] =	vst v48  }
0xf5: {  	v11 =	vbroadcast v11, $0x0;
	v59 =	vld [tilespmem:s29+$0xFFFFFF30];
	v52 =	vmul.f32 v0, v15;
	[tilespmem:s26+$0x90] =	vst v49  }
0xf6: {  	v60 =	vld [tilespmem:s29+$0xFFFFFF40];
	v54 =	vmul.f32 v0, v16;
	[tilespmem:s26+$0xA0] =	vst v50  }
0xf7: {  	v62 =	vld [tilespmem:s29+$0xFFFFFF50];
	v56 =	vmul.f32 v0, v42;
	[tilespmem:s28+$0xB0] =	vst v52  }
0xf8: {  	v17 =	vld [tilespmem:s29+$0xFFFFFF90];
	v58 =	vmul.f32 v0, v43;
	[tilespmem:s28+$0xC0] =	vst v54  }
0xf9: {  	v14 =	vld [tilespmem:s29+$0xFFFFFF70];
	v61 =	vmul.f32 v45, v53;
	[tilespmem:s28+$0xD0] =	vst v56  }
0xfa: {  	v15 =	vld [tilespmem:s29+$0xFFFFFF80];
	v63 =	vmul.f32 v45, v55;
	[tilespmem:s28+$0xE0] =	vst v58  }
0xfb: {  	v47 =	vld.idx.msk [tilespmem:v11+s18+$0x0], $0xffff;
	v13 =	vmul.f32 v45, v57;
	[tilespmem:s29+$0xFFFFFF00] =	vst v61  }
0xfc: {  	v10 =	vor.u32 $0x100, v10;
	v19 =	vld [tilespmem:s29+$0xFFFFFFA0];
	v2 =	vmul.f32 v45, v59;
	[tilespmem:s29+$0xFFFFFF10] =	vst v63  }
0xfd: {  	v10 =	vbroadcast v10, $0x0;
	v21 =	vld [tilespmem:s29+$0xFFFFFFB0];
	v16 =	vmul.f32 v45, v60;
	[tilespmem:s29+$0xFFFFFF20] =	vst v13  }
0xfe: {  	v23 =	vld [tilespmem:s29+$0xFFFFFFC0];
	v18 =	vmul.f32 v45, v62;
	[tilespmem:s29+$0xFFFFFF30] =	vst v2  }
0xff: {  	v25 =	vld [tilespmem:s29+$0xFFFFFFD0];
	[tilespmem:s29+$0xFFFFFF40] =	vst v16;
	v22 =	vmul.f32 v45, v14  }
0x100: {  	v12 =	vmov s30;
	v26 =	vld [tilespmem:s29+$0xFFFFFFE0];
	[tilespmem:s29+$0xFFFFFF50] =	vst v18;
	v24 =	vmul.f32 v47, v15  }
0x101: {  	v12 =	vand.u32 $0x7F, v12;
	v28 =	vld [tilespmem:s29+$0xFFFFFFF0];
	v1 =	vmul.f32 v47, v17;
	[tilespmem:s29+$0xFFFFFF70] =	vst v22  }
0x102: {  	v30 =	vld [tilespmem:s29+$0x0];
	v12 =	vor.u32 $0x100, v12;
	v27 =	vmul.f32 v47, v19;
	[tilespmem:s29+$0xFFFFFF80] =	vst v24  }
0x103: {  	v12 =	vbroadcast v12, $0x0;
	v5 =	vld.idx.msk [tilespmem:v10+s18+$0x0], $0xffff;
	v29 =	vmul.f32 v47, v21;
	[tilespmem:s29+$0xFFFFFF90] =	vst v1  }
0x104: {  	v32 =	vld [tilespmem:s29+$0x10];
	v31 =	vmul.f32 v47, v23;
	[tilespmem:s29+$0xFFFFFFA0] =	vst v27  }
0x105: {  	v34 =	vld [tilespmem:s29+$0x20];
	v33 =	vmul.f32 v47, v25;
	[tilespmem:s29+$0xFFFFFFB0] =	vst v29  }
0x106: {  	v38 =	vld [tilespmem:s29+$0x40];
	v35 =	vmul.f32 v47, v26;
	[tilespmem:s29+$0xFFFFFFC0] =	vst v31  }
0x107: {  	v40 =	vld [tilespmem:s29+$0x50];
	v37 =	vmul.f32 v47, v28;
	[tilespmem:s29+$0xFFFFFFD0] =	vst v33  }
0x108: {  	v44 =	vld [tilespmem:s29+$0x70];
	v39 =	vmul.f32 v5, v30;
	[tilespmem:s29+$0xFFFFFFE0] =	vst v35  }
0x109: {  	v6 =	vld.idx.msk [tilespmem:v12+s18+$0x0], $0xffff;
	v41 =	vmul.f32 v5, v32;
	[tilespmem:s29+$0xFFFFFFF0] =	vst v37  }
0x10a: {  	v12 =	vld [tilespmem:s29+$0xFFFFFF60];
	v43 =	vmul.f32 v5, v34;
	[tilespmem:s29+$0x0] =	vst v39  }
0x10b: {  	v36 =	vld [tilespmem:s29+$0x30];
	v47 =	vmul.f32 v5, v38;
	[tilespmem:s29+$0x10] =	vst v41  }
0x10c: {  	v42 =	vld [tilespmem:s29+$0x60];
	v49 =	vmul.f32 v5, v40;
	[tilespmem:s29+$0x20] =	vst v43  }
0x10d: {  	v46 =	vld [tilespmem:s29+$0x80];
	v53 =	vmul.f32 v5, v44;
	[tilespmem:s29+$0x40] =	vst v47  }
0x10e: {  	v48 =	vld [tilespmem:s29+$0x90];
	v7 =	vmul.f32 v6, v51;
	[tilespmem:s29+$0x50] =	vst v49  }
0x10f: {  	v50 =	vld [tilespmem:s29+$0xA0];
	v20 =	vmul.f32 v45, v12;
	[tilespmem:s29+$0x70] =	vst v53  }
0x110: {  	v52 =	vld [tilespmem:s29+$0xB0];
	v45 =	vmul.f32 v5, v36;
	[tilespmem:s29+$0xF0] =	vst v7  }
0x111: {  	v54 =	vld [tilespmem:s29+$0xC0];
	v51 =	vmul.f32 v5, v42;
	[tilespmem:s29+$0xFFFFFF60] =	vst v20  }
0x112: {  	v56 =	vld [tilespmem:s29+$0xD0];
	v55 =	vmul.f32 v6, v46;
	[tilespmem:s29+$0x30] =	vst v45  }
0x113: {  	v58 =	vld [tilespmem:s29+$0xE0];
	v57 =	vmul.f32 v6, v48;
	[tilespmem:s29+$0x60] =	vst v51  }
0x114: {  	v59 =	vmul.f32 v6, v50;
	[tilespmem:s29+$0x80] =	vst v55  }
0x115: {  	v60 =	vmul.f32 v6, v52;
	[tilespmem:s29+$0x90] =	vst v57  }
0x116: {  	v61 =	vmul.f32 v6, v54;
	[tilespmem:s29+$0xA0] =	vst v59  }
0x117: {  	v62 =	vmul.f32 v6, v56;
	[tilespmem:s29+$0xB0] =	vst v60  }
0x118: {  	s25 =	sadd.s32 $0x1, s25;
	v63 =	vmul.f32 v6, v58;
	[tilespmem:s29+$0xC0] =	vst v61  }
0x119: {  	p0 =	sne.s32 s25, $0x28;
	[tilespmem:s29+$0xD0] =	vst v62  }
.Ltmp2:
0x11a: {  	[tilespmem:s29+$0xE0] =	vst v63;
	(pc) =	sbr.rel @p0 .LBB2_2-.Ltmp2, $4  }
0x11b: {  	[spmem:s2] =	stream.indirect.scatter.add.f32 [tilespmem:s20], [sflag:$0x5], $0x80, s23, s16, $0xb8;
	[tilespmem:$0x1C400] =	vst v63  }
0x11c: {  	_ =	swait.ge [sflag:s14], $0x4000  }
0x11d: {  	[sflag:s14] =	ssyncset.done $0x0  }
0x11e: {  	[sflag:s14] =	ssyncadd.s32 $0xFFFFC000  }
0x11f: {  	_ =	swait.ge [sflag:s21], $0x4000  }
0x120: {  	s24 =	sadd.s32 $0x1, s24;
	[sflag:s21] =	ssyncset.done $0x0  }
0x121: {  	p0 =	sne.s32 s24, s12;
	[sflag:s21] =	ssyncadd.s32 $0xFFFFC000  }
.Ltmp3:
0x122: {  	[bflag:$0x0] =	sbarrier.arrive $0xFFFF;
	(pc) =	sbr.rel @p0 .LBB2_1-.Ltmp3, $4  }
0x123: {  	[hbm:s11], [sflag:s7] =	dma.local [spmem:s13], $0x2800  }
0x124: {  	_ =	swait.ge [sflag:s14], $0x2800  }
0x125: {  	[sflag:s14] =	ssyncset.done $0x0  }
0x126: {  	[sflag:s14] =	ssyncadd.s32 $0xFFFFD800  }
0x127: {  	_ =	sfence.sel $0x180000  }
0x128: {  	[bflag:$0x0] =	sbarrier.arrive $0xFFFF  }
0x129: {  	p0 =	sne.s32 s3, $0x0;
	_ =	strace $0x90000047  }
0x12a: {  	s0 =	sadd.s32 @!p0 $0x100000, s0;
	[bflag:$0x2] =	sbarrier.arrive $0xFFFF  }
0x12b: {  	[sflag:s0] =	ssyncadd.tile.s32 @!p0 $0x1;
	_ =	shalt  }
.Lfunc_end2:
_tile_overlayer_lowered:
.L_overlay_start_2:
0x12c: {  	(tag) =	ssettag $0x2  }
0x12d: {  	s0 =	rddreg [dreg:$0x0];
	s2 =	stileid.u32  }
0x12e: {  	s1 =	rddreg [dreg:$0x1];
	p0 =	sne.s32 s2, $0x0  }
0x12f: {  	s3 =	rddreg [dreg:$0x2];
	[bflag:$0x3] =	sbarrier.arrive $0xFFFF;
	s2 =	simm.s32 @!p0 $0x1C05  }
0x130: {  	[timem:s3], [sflag:s2] =	dma.local @!p0 [hbm:s0], s1  }
0x131: {  	s0 =	simm.s32 @!p0 $0x5  }
0x132: {  	_ =	swait.ge @!p0 [sflag:s0], s1  }
0x133: {  	s1 =	ssub.s32 @!p0 $0x0, s1;
	[sflag:s0] =	ssyncset.done @!p0 $0x0  }
0x134: {  	[sflag:s0] =	ssyncadd.s32 @!p0 s1  }
0x135: {  	[bflag:$0x3] =	sbarrier.arrive $0xFFFF  }
0x136: {  	_ =	shalt  }

</sc_bundles>
